<compile_context>
chip_gen: v7x
topology: tpu7x:2x2x1
jax: 0.10.2.dev20260603
libtpu: 0.0.44.dev20260713+nightly
codegen_flags: <defaults>
</compile_context>

<pallas_src>
import functools

import jax
import jax.numpy as jnp
from jax import lax
from jax.experimental import pallas as pl
from jax.experimental.pallas import tpu as pltpu
from jax.experimental.pallas import tpu_sc as plsc

N = 10000
E = 320000
C = 128
DE = 16
H = 64

NC = 2
NS = 16
CHUNK = 128
NCHUNKS = E // CHUNK
CORE_CHUNKS = NCHUNKS // NC
BASE_CH = CORE_CHUNKS // NS
EXTRA_CH = CORE_CHUNKS - BASE_CH * NS
RSTAGE = 624
RSTAGE_LAST = N - RSTAGE * (NS - 1)
NPAD = 10240
DROWS = NPAD // NS



_EB = 3200


def _mlp_body(ea_ref, w1_ref, b1_ref, w2_ref, b2_ref, w_ref):
    h = jnp.dot(ea_ref[...], w1_ref[...], preferred_element_type=jnp.float32)
    h = jnp.maximum(h + b1_ref[...], 0.0)
    w_ref[...] = jnp.dot(h, w2_ref[...], preferred_element_type=jnp.float32) + b2_ref[...]


_mlp = pl.pallas_call(
    _mlp_body,
    grid=(E // _EB,),
    in_specs=[
        pl.BlockSpec((_EB, DE), lambda i: (i, 0)),
        pl.BlockSpec((DE, H), lambda i: (0, 0)),
        pl.BlockSpec((1, H), lambda i: (0, 0)),
        pl.BlockSpec((H, C), lambda i: (0, 0)),
        pl.BlockSpec((1, C), lambda i: (0, 0)),
    ],
    out_specs=pl.BlockSpec((_EB, C), lambda i: (i, 0)),
    out_shape=jax.ShapeDtypeStruct((E, C), jnp.float32),
)

_RB = 2000


def _softmax_body(x_ref, q_ref):
    x = x_ref[...]
    m = jnp.max(x, axis=1, keepdims=True)
    e = jnp.exp(x - m)
    q_ref[...] = e / jnp.sum(e, axis=1, keepdims=True)


_softmax = pl.pallas_call(
    _softmax_body,
    grid=(N // _RB,),
    in_specs=[pl.BlockSpec((_RB, C), lambda i: (i, 0))],
    out_specs=pl.BlockSpec((_RB, C), lambda i: (i, 0)),
    out_shape=jax.ShapeDtypeStruct((N, C), jnp.float32),
)


def _upd_softmax_body(x_ref, agg_ref, d0_ref, d1_ref, q_ref):
    agg = agg_ref[0] + agg_ref[1]
    deg = jnp.maximum(d0_ref[...] + d1_ref[...], 1.0)
    x = x_ref[...] - agg / deg
    m = jnp.max(x, axis=1, keepdims=True)
    e = jnp.exp(x - m)
    q_ref[...] = e / jnp.sum(e, axis=1, keepdims=True)


_upd_softmax = pl.pallas_call(
    _upd_softmax_body,
    grid=(N // _RB,),
    in_specs=[
        pl.BlockSpec((_RB, C), lambda i: (i, 0)),
        pl.BlockSpec((NC, _RB, C), lambda i: (0, i, 0)),
        pl.BlockSpec((_RB, 1), lambda i: (i, 0)),
        pl.BlockSpec((_RB, 1), lambda i: (i, 0)),
    ],
    out_specs=pl.BlockSpec((_RB, C), lambda i: (i, 0)),
    out_shape=jax.ShapeDtypeStruct((N, C), jnp.float32),
)


def _upd_final_body(x_ref, agg_ref, d0_ref, d1_ref, out_ref):
    agg = agg_ref[0] + agg_ref[1]
    deg = jnp.maximum(d0_ref[...] + d1_ref[...], 1.0)
    out_ref[...] = x_ref[...] - agg / deg


_upd_final = pl.pallas_call(
    _upd_final_body,
    grid=(N // _RB,),
    in_specs=[
        pl.BlockSpec((_RB, C), lambda i: (i, 0)),
        pl.BlockSpec((NC, _RB, C), lambda i: (0, i, 0)),
        pl.BlockSpec((_RB, 1), lambda i: (i, 0)),
        pl.BlockSpec((_RB, 1), lambda i: (i, 0)),
    ],
    out_specs=pl.BlockSpec((_RB, C), lambda i: (i, 0)),
    out_shape=jax.ShapeDtypeStruct((N, C), jnp.float32),
)



def _sc_propagate_body(q_hbm, w_hbm, src_hbm, dst_hbm, zrow_hbm, zdeg_hbm,
                       agg_out, deg_out,
                       agg_sh, deg_sh, src_v, dst_v, ones_v,
                       q_rows, w_rows, msg, sem):
    cid = lax.axis_index("c")
    sid = lax.axis_index("s")

    r0 = sid * RSTAGE

    @pl.when(sid < NS - 1)
    def _():
        pltpu.sync_copy(zrow_hbm.at[pl.ds(r0, RSTAGE)],
                        agg_sh.at[pl.ds(r0, RSTAGE)])

    @pl.when(sid == NS - 1)
    def _():
        pltpu.sync_copy(zrow_hbm.at[pl.ds(r0, RSTAGE_LAST)],
                        agg_sh.at[pl.ds(r0, RSTAGE_LAST)])

    d0 = sid * DROWS
    pltpu.sync_copy(zdeg_hbm.at[pl.ds(d0, DROWS)], deg_sh.at[pl.ds(d0, DROWS)])
    for j in range(CHUNK // 16):
        ones_v[pl.ds(j * 16, 16)] = jnp.full((16,), 1.0, jnp.float32)
    plsc.subcore_barrier()

    nch = jnp.where(sid < EXTRA_CH, BASE_CH + 1, BASE_CH)
    c0 = cid * CORE_CHUNKS + sid * BASE_CH + jnp.minimum(sid, EXTRA_CH)

    def chunk_body(i, carry):
        base = (c0 + i) * CHUNK
        pltpu.sync_copy(src_hbm.at[pl.ds(base, CHUNK)], src_v)
        pltpu.sync_copy(dst_hbm.at[pl.ds(base, CHUNK)], dst_v)
        pltpu.sync_copy(w_hbm.at[pl.ds(base, CHUNK)], w_rows)
        pltpu.async_copy(q_hbm.at[src_v], q_rows, sem).wait()

        def mul_body(e, c2):
            for j in range(C // 16):
                sl = pl.ds(j * 16, 16)
                msg[e, sl] = q_rows[e, sl] * w_rows[e, sl]
            return c2

        lax.fori_loop(0, CHUNK, mul_body, 0)
        pltpu.sync_copy(msg, agg_sh.at[dst_v], add=True)
        pltpu.sync_copy(ones_v, deg_sh.at[dst_v], add=True)
        return carry

    lax.fori_loop(0, nch, chunk_body, 0)
    plsc.subcore_barrier()

    @pl.when(sid < NS - 1)
    def _():
        pltpu.sync_copy(agg_sh.at[pl.ds(r0, RSTAGE)],
                        agg_out.at[cid, pl.ds(r0, RSTAGE)])

    @pl.when(sid == NS - 1)
    def _():
        pltpu.sync_copy(agg_sh.at[pl.ds(r0, RSTAGE_LAST)],
                        agg_out.at[cid, pl.ds(r0, RSTAGE_LAST)])

    pltpu.sync_copy(deg_sh.at[pl.ds(d0, DROWS)],
                    deg_out.at[pl.ds(cid * NPAD + d0, DROWS)])


@functools.lru_cache(maxsize=1)
def _make_sc_propagate():
    mesh = plsc.VectorSubcoreMesh(
        core_axis_name="c", subcore_axis_name="s",
        num_cores=NC, num_subcores=NS)
    return pl.kernel(
        _sc_propagate_body,
        out_type=[
            jax.ShapeDtypeStruct((NC, N, C), jnp.float32),
            jax.ShapeDtypeStruct((NC * NPAD,), jnp.float32),
        ],
        mesh=mesh,
        scratch_types=[
            pltpu.VMEM_SHARED((N, C), jnp.float32),
            pltpu.VMEM_SHARED((NPAD,), jnp.float32),
            pltpu.VMEM((CHUNK,), jnp.int32),
            pltpu.VMEM((CHUNK,), jnp.int32),
            pltpu.VMEM((CHUNK,), jnp.float32),
            pltpu.VMEM((CHUNK, C), jnp.float32),
            pltpu.VMEM((CHUNK, C), jnp.float32),
            pltpu.VMEM((CHUNK, C), jnp.float32),
            pltpu.SemaphoreType.DMA,
        ],
    )



def kernel(input, edge_index, edge_attr, W1, b1, W2, b2):
    src = edge_index[0]
    dst = edge_index[1]
    w = _mlp(edge_attr, W1, b1.reshape(1, H), W2, b2.reshape(1, C))
    zrow = jnp.zeros((N, C), jnp.float32)
    zdeg = jnp.zeros((NPAD,), jnp.float32)

    sc_propagate = _make_sc_propagate()
    q = _softmax(input)
    agg, deg = sc_propagate(q, w, src, dst, zrow, zdeg)
    d0 = deg[:N].reshape(N, 1)
    d1 = deg[NPAD:NPAD + N].reshape(N, 1)
    q = _upd_softmax(input, agg, d0, d1)
    agg, _ = sc_propagate(q, w, src, dst, zrow, zdeg)
    return _upd_final(input, agg, d0, d1)

# --- scband reference (transcript-rebuilt; emitter-appended) ---
"""Pipeline reference for scband-ecc-crfmodule-19791209300765 (READ-ONLY COPY).

The authoritative reference and input builder live on the scoring server;
editing this copy changes nothing except your own understanding.
"""

import jax, jax.numpy as jnp
import numpy as np

N = 10000
E = 320000
C = 128
DE = 16
H = 64
NREPEATS = 2


def setup_inputs(seed: int = 0) -> dict:
    key = jax.random.key(seed)
    ks = jax.random.split(key, 8)
    inp = jax.random.normal(ks[0], (N, C), dtype=jnp.float32)
    edge_index = jax.random.randint(ks[1], (2, E), 0, N).astype(jnp.int32)
    edge_attr = jax.random.normal(ks[2], (E, DE), dtype=jnp.float32)
    # Filter-generating network params of the ECC propagation (2-layer MLP
    # producing per-edge, per-channel weights, i.e. a diagonal edge matrix).
    W1 = jax.random.normal(ks[3], (DE, H), dtype=jnp.float32) * (1.0 / np.sqrt(DE))
    b1 = jnp.zeros((H,), dtype=jnp.float32)
    W2 = jax.random.normal(ks[4], (H, C), dtype=jnp.float32) * (1.0 / np.sqrt(H))
    b2 = jnp.zeros((C,), dtype=jnp.float32)
    return {"input": inp, "edge_index": edge_index, "edge_attr": edge_attr,
            "W1": W1, "b1": b1, "W2": W2, "b2": b2}


def reference(input, edge_index, edge_attr, W1, b1, W2, b2):
    src = edge_index[0]
    dst = edge_index[1]
    n = input.shape[0]
    ones = jnp.ones((edge_index.shape[1],), dtype=input.dtype)
    deg = jnp.maximum(jax.ops.segment_sum(ones, dst, num_segments=n), 1.0)

    def propagation(Q):
        # edge-conditioned weights from the filter-generating network
        h = jax.nn.relu(edge_attr @ W1 + b1)
        w = h @ W2 + b2                      # [E, C]
        msg = w * jnp.take(Q, src, axis=0)   # gather + modulate
        agg = jax.ops.segment_sum(msg, dst, num_segments=n)  # scatter-add
        return agg / deg[:, None]            # mean aggregation

    Q = jax.nn.softmax(input, axis=1)
    for i in range(NREPEATS):
        Q = propagation(Q)
        Q = input - Q
        if i < NREPEATS - 1:
            Q = jax.nn.softmax(Q, axis=1)
    return Q

if __name__ == "__main__":
    import jax
    _d = setup_inputs()
    print(jax.jit(kernel)(*tuple(_d.values())))

</pallas_src>

<mosaic_0001>
#map = affine_map<(d0, d1) -> (0, 0)>
#map1 = affine_map<(d0, d1) -> (0)>
#map2 = affine_map<(d0, d1) -> (0, 0, 0)>
module attributes {stable_mosaic.version = 14 : i64} {
  func.func @_sc_propagate_body(%arg0: i32, %arg1: i32, %arg2: memref<10000x128xf32, #tpu.memory_space<hbm>>, %arg3: memref<320000x128xf32, #tpu.memory_space<hbm>>, %arg4: memref<320000xi32, #tpu.memory_space<hbm>>, %arg5: memref<320000xi32, #tpu.memory_space<hbm>>, %arg6: memref<10000x128xf32, #tpu.memory_space<hbm>>, %arg7: memref<10240xf32, #tpu.memory_space<hbm>>, %arg8: memref<2x10000x128xf32, #tpu.memory_space<hbm>>, %arg9: memref<20480xf32, #tpu.memory_space<hbm>>, %arg10: memref<10000x128xf32, #tpu.memory_space<vmem_shared>>, %arg11: memref<10240xf32, #tpu.memory_space<vmem_shared>>, %arg12: memref<128xi32, #tpu.memory_space<vmem>>, %arg13: memref<128xi32, #tpu.memory_space<vmem>>, %arg14: memref<128xf32, #tpu.memory_space<vmem>>, %arg15: memref<128x128xf32, #tpu.memory_space<vmem>>, %arg16: memref<128x128xf32, #tpu.memory_space<vmem>>, %arg17: memref<128x128xf32, #tpu.memory_space<vmem>>, %arg18: memref<!tpu.dma_semaphore, #tpu.memory_space<semaphore_mem>>) attributes {dimension_semantics = [#tpu.dimension_semantics<core_parallel>, #tpu.dimension_semantics<subcore_parallel>], iteration_bounds = array<i64: 2, 16>, scalar_prefetch = 0 : i64, scratch_operands = 9 : i64, tpu.core_type = #tpu.core_type<sc_vector_subcore>, window_params = [{transform_indices = #map}, {transform_indices = #map}, {transform_indices = #map1}, {transform_indices = #map1}, {transform_indices = #map}, {transform_indices = #map1}, {transform_indices = #map2}, {transform_indices = #map1}]} {
    %mul3A = arith.constant 624 : i32
    %mul3A_0 = arith.muli %arg1, %mul3A : i32
    %lt3A = arith.constant 15 : i32
    %lt3A_1 = arith.cmpi slt, %arg1, %lt3A : i32
    %convert_element_type3A = arith.extui %lt3A_1 : i1 to i32
    %cond3A = arith.constant 0 : i32
    %cond3A_2 = arith.cmpi ne, %convert_element_type3A, %cond3A : i32
    scf.if %cond3A_2 {
      "tpu.region"() ({
        %run_scoped3A = tpu.sem_alloc : memref<!tpu.dma_semaphore, #tpu.memory_space<semaphore_mem>>
        %dma_start3A = arith.constant 0 : i32
        %dma_start3A_87 = tpu.memref_slice %arg10[%mul3A_0, %dma_start3A] : memref<10000x128xf32, #tpu.memory_space<vmem_shared>> -> memref<624x128xf32, #tpu.memory_space<vmem_shared>>
        %dma_start3A_88 = arith.constant 0 : i32
        %dma_start3A_89 = tpu.memref_slice %arg6[%mul3A_0, %dma_start3A_88] : memref<10000x128xf32, #tpu.memory_space<hbm>> -> memref<624x128xf32, #tpu.memory_space<hbm>>
        tpu.enqueue_dma source(%dma_start3A_89 : memref<624x128xf32, #tpu.memory_space<hbm>>) target(%dma_start3A_87 : memref<624x128xf32, #tpu.memory_space<vmem_shared>>) target_semaphore(%run_scoped3A : memref<!tpu.dma_semaphore, #tpu.memory_space<semaphore_mem>>)
        %dma_wait3A = arith.constant 0 : i32
        %dma_wait3A_90 = tpu.memref_slice %arg10[%mul3A_0, %dma_wait3A] : memref<10000x128xf32, #tpu.memory_space<vmem_shared>> -> memref<624x128xf32, #tpu.memory_space<vmem_shared>>
        %dma_wait3A_91 = arith.constant 0 : i32
        %dma_wait3A_92 = tpu.memref_slice %arg6[%mul3A_0, %dma_wait3A_91] : memref<10000x128xf32, #tpu.memory_space<hbm>> -> memref<624x128xf32, #tpu.memory_space<hbm>>
        tpu.wait_dma2 semaphore(%run_scoped3A : memref<!tpu.dma_semaphore, #tpu.memory_space<semaphore_mem>>) src(%dma_wait3A_92 : memref<624x128xf32, #tpu.memory_space<hbm>>) dst(%dma_wait3A_90 : memref<624x128xf32, #tpu.memory_space<vmem_shared>>)
        tpu.yield
      }) : () -> ()
    } else {
    }
    %eq3A = arith.constant 15 : i32
    %eq3A_3 = arith.cmpi eq, %arg1, %eq3A : i32
    %convert_element_type3A_4 = arith.extui %eq3A_3 : i1 to i32
    %cond3A_5 = arith.constant 0 : i32
    %cond3A_6 = arith.cmpi ne, %convert_element_type3A_4, %cond3A_5 : i32
    scf.if %cond3A_6 {
      "tpu.region"() ({
        %run_scoped3A = tpu.sem_alloc : memref<!tpu.dma_semaphore, #tpu.memory_space<semaphore_mem>>
        %dma_start3A = arith.constant 0 : i32
        %dma_start3A_87 = tpu.memref_slice %arg10[%mul3A_0, %dma_start3A] : memref<10000x128xf32, #tpu.memory_space<vmem_shared>> -> memref<640x128xf32, #tpu.memory_space<vmem_shared>>
        %dma_start3A_88 = arith.constant 0 : i32
        %dma_start3A_89 = tpu.memref_slice %arg6[%mul3A_0, %dma_start3A_88] : memref<10000x128xf32, #tpu.memory_space<hbm>> -> memref<640x128xf32, #tpu.memory_space<hbm>>
        tpu.enqueue_dma source(%dma_start3A_89 : memref<640x128xf32, #tpu.memory_space<hbm>>) target(%dma_start3A_87 : memref<640x128xf32, #tpu.memory_space<vmem_shared>>) target_semaphore(%run_scoped3A : memref<!tpu.dma_semaphore, #tpu.memory_space<semaphore_mem>>)
        %dma_wait3A = arith.constant 0 : i32
        %dma_wait3A_90 = tpu.memref_slice %arg10[%mul3A_0, %dma_wait3A] : memref<10000x128xf32, #tpu.memory_space<vmem_shared>> -> memref<640x128xf32, #tpu.memory_space<vmem_shared>>
        %dma_wait3A_91 = arith.constant 0 : i32
        %dma_wait3A_92 = tpu.memref_slice %arg6[%mul3A_0, %dma_wait3A_91] : memref<10000x128xf32, #tpu.memory_space<hbm>> -> memref<640x128xf32, #tpu.memory_space<hbm>>
        tpu.wait_dma2 semaphore(%run_scoped3A : memref<!tpu.dma_semaphore, #tpu.memory_space<semaphore_mem>>) src(%dma_wait3A_92 : memref<640x128xf32, #tpu.memory_space<hbm>>) dst(%dma_wait3A_90 : memref<640x128xf32, #tpu.memory_space<vmem_shared>>)
        tpu.yield
      }) : () -> ()
    } else {
    }
    %mul3A_7 = arith.constant 640 : i32
    %mul3A_8 = arith.muli %arg1, %mul3A_7 : i32
    "tpu.region"() ({
      %run_scoped3A = tpu.sem_alloc : memref<!tpu.dma_semaphore, #tpu.memory_space<semaphore_mem>>
      %dma_start3A = tpu.memref_slice %arg11[%mul3A_8] : memref<10240xf32, #tpu.memory_space<vmem_shared>> -> memref<640xf32, #tpu.memory_space<vmem_shared>>
      %dma_start3A_87 = tpu.memref_slice %arg7[%mul3A_8] : memref<10240xf32, #tpu.memory_space<hbm>> -> memref<640xf32, #tpu.memory_space<hbm>>
      tpu.enqueue_dma source(%dma_start3A_87 : memref<640xf32, #tpu.memory_space<hbm>>) target(%dma_start3A : memref<640xf32, #tpu.memory_space<vmem_shared>>) target_semaphore(%run_scoped3A : memref<!tpu.dma_semaphore, #tpu.memory_space<semaphore_mem>>)
      %dma_wait3A = tpu.memref_slice %arg11[%mul3A_8] : memref<10240xf32, #tpu.memory_space<vmem_shared>> -> memref<640xf32, #tpu.memory_space<vmem_shared>>
      %dma_wait3A_88 = tpu.memref_slice %arg7[%mul3A_8] : memref<10240xf32, #tpu.memory_space<hbm>> -> memref<640xf32, #tpu.memory_space<hbm>>
      tpu.wait_dma2 semaphore(%run_scoped3A : memref<!tpu.dma_semaphore, #tpu.memory_space<semaphore_mem>>) src(%dma_wait3A_88 : memref<640xf32, #tpu.memory_space<hbm>>) dst(%dma_wait3A : memref<640xf32, #tpu.memory_space<vmem_shared>>)
      tpu.yield
    }) : () -> ()
    %broadcast_in_dim3A = arith.constant 1.000000e+00 : f32
    %broadcast_in_dim3A_9 = vector.broadcast %broadcast_in_dim3A : f32 to vector<16xf32>
    %swap3A = arith.constant 0 : index
    %swap3A_10 = tpu.vector_load %arg14[%swap3A] {strides = array<i32>} : memref<128xf32, #tpu.memory_space<vmem>>, vector<16xf32>,
    %swap3A_11 = vector.shape_cast %swap3A_10 : vector<16xf32> to vector<16xf32>
    %swap3A_12 = vector.shape_cast %broadcast_in_dim3A_9 : vector<16xf32> to vector<16xf32>
    tpu.vector_store %arg14[%swap3A], %swap3A_12 {strides = array<i32>} : memref<128xf32, #tpu.memory_space<vmem>>, vector<16xf32>,
    %broadcast_in_dim3A_13 = arith.constant 1.000000e+00 : f32
    %broadcast_in_dim3A_14 = vector.broadcast %broadcast_in_dim3A_13 : f32 to vector<16xf32>
    %swap3A_15 = arith.constant 16 : index
    %swap3A_16 = tpu.vector_load %arg14[%swap3A_15] {strides = array<i32>} : memref<128xf32, #tpu.memory_space<vmem>>, vector<16xf32>,
    %swap3A_17 = vector.shape_cast %swap3A_16 : vector<16xf32> to vector<16xf32>
    %swap3A_18 = vector.shape_cast %broadcast_in_dim3A_14 : vector<16xf32> to vector<16xf32>
    tpu.vector_store %arg14[%swap3A_15], %swap3A_18 {strides = array<i32>} : memref<128xf32, #tpu.memory_space<vmem>>, vector<16xf32>,
    %broadcast_in_dim3A_19 = arith.constant 1.000000e+00 : f32
    %broadcast_in_dim3A_20 = vector.broadcast %broadcast_in_dim3A_19 : f32 to vector<16xf32>
    %swap3A_21 = arith.constant 32 : index
    %swap3A_22 = tpu.vector_load %arg14[%swap3A_21] {strides = array<i32>} : memref<128xf32, #tpu.memory_space<vmem>>, vector<16xf32>,
    %swap3A_23 = vector.shape_cast %swap3A_22 : vector<16xf32> to vector<16xf32>
    %swap3A_24 = vector.shape_cast %broadcast_in_dim3A_20 : vector<16xf32> to vector<16xf32>
    tpu.vector_store %arg14[%swap3A_21], %swap3A_24 {strides = array<i32>} : memref<128xf32, #tpu.memory_space<vmem>>, vector<16xf32>,
    %broadcast_in_dim3A_25 = arith.constant 1.000000e+00 : f32
    %broadcast_in_dim3A_26 = vector.broadcast %broadcast_in_dim3A_25 : f32 to vector<16xf32>
    %swap3A_27 = arith.constant 48 : index
    %swap3A_28 = tpu.vector_load %arg14[%swap3A_27] {strides = array<i32>} : memref<128xf32, #tpu.memory_space<vmem>>, vector<16xf32>,
    %swap3A_29 = vector.shape_cast %swap3A_28 : vector<16xf32> to vector<16xf32>
    %swap3A_30 = vector.shape_cast %broadcast_in_dim3A_26 : vector<16xf32> to vector<16xf32>
    tpu.vector_store %arg14[%swap3A_27], %swap3A_30 {strides = array<i32>} : memref<128xf32, #tpu.memory_space<vmem>>, vector<16xf32>,
    %broadcast_in_dim3A_31 = arith.constant 1.000000e+00 : f32
    %broadcast_in_dim3A_32 = vector.broadcast %broadcast_in_dim3A_31 : f32 to vector<16xf32>
    %swap3A_33 = arith.constant 64 : index
    %swap3A_34 = tpu.vector_load %arg14[%swap3A_33] {strides = array<i32>} : memref<128xf32, #tpu.memory_space<vmem>>, vector<16xf32>,
    %swap3A_35 = vector.shape_cast %swap3A_34 : vector<16xf32> to vector<16xf32>
    %swap3A_36 = vector.shape_cast %broadcast_in_dim3A_32 : vector<16xf32> to vector<16xf32>
    tpu.vector_store %arg14[%swap3A_33], %swap3A_36 {strides = array<i32>} : memref<128xf32, #tpu.memory_space<vmem>>, vector<16xf32>,
    %broadcast_in_dim3A_37 = arith.constant 1.000000e+00 : f32
    %broadcast_in_dim3A_38 = vector.broadcast %broadcast_in_dim3A_37 : f32 to vector<16xf32>
    %swap3A_39 = arith.constant 80 : index
    %swap3A_40 = tpu.vector_load %arg14[%swap3A_39] {strides = array<i32>} : memref<128xf32, #tpu.memory_space<vmem>>, vector<16xf32>,
    %swap3A_41 = vector.shape_cast %swap3A_40 : vector<16xf32> to vector<16xf32>
    %swap3A_42 = vector.shape_cast %broadcast_in_dim3A_38 : vector<16xf32> to vector<16xf32>
    tpu.vector_store %arg14[%swap3A_39], %swap3A_42 {strides = array<i32>} : memref<128xf32, #tpu.memory_space<vmem>>, vector<16xf32>,
    %broadcast_in_dim3A_43 = arith.constant 1.000000e+00 : f32
    %broadcast_in_dim3A_44 = vector.broadcast %broadcast_in_dim3A_43 : f32 to vector<16xf32>
    %swap3A_45 = arith.constant 96 : index
    %swap3A_46 = tpu.vector_load %arg14[%swap3A_45] {strides = array<i32>} : memref<128xf32, #tpu.memory_space<vmem>>, vector<16xf32>,
    %swap3A_47 = vector.shape_cast %swap3A_46 : vector<16xf32> to vector<16xf32>
    %swap3A_48 = vector.shape_cast %broadcast_in_dim3A_44 : vector<16xf32> to vector<16xf32>
    tpu.vector_store %arg14[%swap3A_45], %swap3A_48 {strides = array<i32>} : memref<128xf32, #tpu.memory_space<vmem>>, vector<16xf32>,
    %broadcast_in_dim3A_49 = arith.constant 1.000000e+00 : f32
    %broadcast_in_dim3A_50 = vector.broadcast %broadcast_in_dim3A_49 : f32 to vector<16xf32>
    %swap3A_51 = arith.constant 112 : index
    %swap3A_52 = tpu.vector_load %arg14[%swap3A_51] {strides = array<i32>} : memref<128xf32, #tpu.memory_space<vmem>>, vector<16xf32>,
    %swap3A_53 = vector.shape_cast %swap3A_52 : vector<16xf32> to vector<16xf32>
    %swap3A_54 = vector.shape_cast %broadcast_in_dim3A_50 : vector<16xf32> to vector<16xf32>
    tpu.vector_store %arg14[%swap3A_51], %swap3A_54 {strides = array<i32>} : memref<128xf32, #tpu.memory_space<vmem>>, vector<16xf32>,
    %barrier3A = arith.constant 0 : index
    tpu.barrier barrier_id(%barrier3A)
    %lt3A_55 = arith.constant 2 : i32
    %lt3A_56 = arith.cmpi slt, %arg1, %lt3A_55 : i32
    %jit3A = arith.constant 79 : i32
    %jit3A_57 = arith.constant 78 : i32
    %select_n3A = arith.select %lt3A_56, %jit3A, %jit3A_57 : i32
    %mul3A_58 = arith.constant 1250 : i32
    %mul3A_59 = arith.muli %arg0, %mul3A_58 : i32
    %mul3A_60 = arith.constant 78 : i32
    %mul3A_61 = arith.muli %arg1, %mul3A_60 : i32
    %add3A = arith.addi %mul3A_59, %mul3A_61 : i32
    %min3A = arith.constant 2 : i32
    %min3A_62 = arith.minsi %arg1, %min3A : i32
    %add3A_63 = arith.addi %add3A, %min3A_62 : i32
    %while3A = arith.constant 0 : i32
    %while3A_64 = arith.constant 0 : i32
    %while3A_65 = arith.subi %select_n3A, %while3A_64 : i32
    %while3A_66 = arith.addi %while3A_64, %while3A_65 : i32
    %while3A_67 = arith.constant 1 : i32
    %while3A_68 = arith.divsi %while3A_65, %while3A_67 : i32
    %while3A_69 = arith.muli %while3A_68, %while3A_67 : i32
    %while3A_70 = arith.addi %while3A_64, %while3A_69 : i32
    %while3A_71 = arith.constant 1 : i32
    scf.for %while3A_87 = %while3A_64 to %while3A_70 step %while3A_71  : i32 {
      %add3A_88 = arith.addi %add3A_63, %while3A_87 : i32
      %mul3A_89 = arith.constant 128 : i32
      %mul3A_90 = arith.muli %add3A_88, %mul3A_89 : i32
      "tpu.region"() ({
        %run_scoped3A = tpu.sem_alloc : memref<!tpu.dma_semaphore, #tpu.memory_space<semaphore_mem>>
        %dma_start3A_100 = tpu.memref_slice %arg4[%mul3A_90] : memref<320000xi32, #tpu.memory_space<hbm>> -> memref<128xi32, #tpu.memory_space<hbm>>
        %dma_start3A_101 = tpu.memref_slice %arg4[%mul3A_90] : memref<320000xi32, #tpu.memory_space<hbm>> -> memref<128xi32, #tpu.memory_space<hbm>>
        tpu.enqueue_dma source(%dma_start3A_101 : memref<128xi32, #tpu.memory_space<hbm>>) target(%arg12 : memref<128xi32, #tpu.memory_space<vmem>>) target_semaphore(%run_scoped3A : memref<!tpu.dma_semaphore, #tpu.memory_space<semaphore_mem>>)
        %dma_wait3A_102 = tpu.memref_slice %arg4[%mul3A_90] : memref<320000xi32, #tpu.memory_space<hbm>> -> memref<128xi32, #tpu.memory_space<hbm>>
        %dma_wait3A_103 = tpu.memref_slice %arg4[%mul3A_90] : memref<320000xi32, #tpu.memory_space<hbm>> -> memref<128xi32, #tpu.memory_space<hbm>>
        tpu.wait_dma2 semaphore(%run_scoped3A : memref<!tpu.dma_semaphore, #tpu.memory_space<semaphore_mem>>) src(%dma_wait3A_103 : memref<128xi32, #tpu.memory_space<hbm>>) dst(%arg12 : memref<128xi32, #tpu.memory_space<vmem>>)
        tpu.yield
      }) : () -> ()
      "tpu.region"() ({
        %run_scoped3A = tpu.sem_alloc : memref<!tpu.dma_semaphore, #tpu.memory_space<semaphore_mem>>
        %dma_start3A_100 = tpu.memref_slice %arg5[%mul3A_90] : memref<320000xi32, #tpu.memory_space<hbm>> -> memref<128xi32, #tpu.memory_space<hbm>>
        %dma_start3A_101 = tpu.memref_slice %arg5[%mul3A_90] : memref<320000xi32, #tpu.memory_space<hbm>> -> memref<128xi32, #tpu.memory_space<hbm>>
        tpu.enqueue_dma source(%dma_start3A_101 : memref<128xi32, #tpu.memory_space<hbm>>) target(%arg13 : memref<128xi32, #tpu.memory_space<vmem>>) target_semaphore(%run_scoped3A : memref<!tpu.dma_semaphore, #tpu.memory_space<semaphore_mem>>)
        %dma_wait3A_102 = tpu.memref_slice %arg5[%mul3A_90] : memref<320000xi32, #tpu.memory_space<hbm>> -> memref<128xi32, #tpu.memory_space<hbm>>
        %dma_wait3A_103 = tpu.memref_slice %arg5[%mul3A_90] : memref<320000xi32, #tpu.memory_space<hbm>> -> memref<128xi32, #tpu.memory_space<hbm>>
        tpu.wait_dma2 semaphore(%run_scoped3A : memref<!tpu.dma_semaphore, #tpu.memory_space<semaphore_mem>>) src(%dma_wait3A_103 : memref<128xi32, #tpu.memory_space<hbm>>) dst(%arg13 : memref<128xi32, #tpu.memory_space<vmem>>)
        tpu.yield
      }) : () -> ()
      "tpu.region"() ({
        %run_scoped3A = tpu.sem_alloc : memref<!tpu.dma_semaphore, #tpu.memory_space<semaphore_mem>>
        %dma_start3A_100 = arith.constant 0 : i32
        %dma_start3A_101 = tpu.memref_slice %arg3[%mul3A_90, %dma_start3A_100] : memref<320000x128xf32, #tpu.memory_space<hbm>> -> memref<128x128xf32, #tpu.memory_space<hbm>>
        %dma_start3A_102 = arith.constant 0 : i32
        %dma_start3A_103 = tpu.memref_slice %arg3[%mul3A_90, %dma_start3A_102] : memref<320000x128xf32, #tpu.memory_space<hbm>> -> memref<128x128xf32, #tpu.memory_space<hbm>>
        tpu.enqueue_dma source(%dma_start3A_103 : memref<128x128xf32, #tpu.memory_space<hbm>>) target(%arg16 : memref<128x128xf32, #tpu.memory_space<vmem>>) target_semaphore(%run_scoped3A : memref<!tpu.dma_semaphore, #tpu.memory_space<semaphore_mem>>)
        %dma_wait3A_104 = arith.constant 0 : i32
        %dma_wait3A_105 = tpu.memref_slice %arg3[%mul3A_90, %dma_wait3A_104] : memref<320000x128xf32, #tpu.memory_space<hbm>> -> memref<128x128xf32, #tpu.memory_space<hbm>>
        %dma_wait3A_106 = arith.constant 0 : i32
        %dma_wait3A_107 = tpu.memref_slice %arg3[%mul3A_90, %dma_wait3A_106] : memref<320000x128xf32, #tpu.memory_space<hbm>> -> memref<128x128xf32, #tpu.memory_space<hbm>>
        tpu.wait_dma2 semaphore(%run_scoped3A : memref<!tpu.dma_semaphore, #tpu.memory_space<semaphore_mem>>) src(%dma_wait3A_107 : memref<128x128xf32, #tpu.memory_space<hbm>>) dst(%arg16 : memref<128x128xf32, #tpu.memory_space<vmem>>)
        tpu.yield
      }) : () -> ()
      %dma_start3A = arith.constant 0 : i32
      %dma_start3A_91 = arith.constant 0 : i32
      %dma_start3A_92 = tpu.memref_slice %arg2[%dma_start3A, %dma_start3A_91] : memref<10000x128xf32, #tpu.memory_space<hbm>> -> memref<10000x128xf32, #tpu.memory_space<hbm>>
      tpu.enqueue_indirect_dma source(%dma_start3A_92 : memref<10000x128xf32, #tpu.memory_space<hbm>>) target(%arg15 : memref<128x128xf32, #tpu.memory_space<vmem>>) offsets(%arg12 : memref<128xi32, #tpu.memory_space<vmem>>) semaphore(%arg18 : memref<!tpu.dma_semaphore, #tpu.memory_space<semaphore_mem>>)
      %dma_wait3A = arith.constant 0 : i32
      %dma_wait3A_93 = arith.constant 0 : i32
      %dma_wait3A_94 = tpu.memref_slice %arg2[%dma_wait3A, %dma_wait3A_93] : memref<10000x128xf32, #tpu.memory_space<hbm>> -> memref<10000x128xf32, #tpu.memory_space<hbm>>
      tpu.wait_indirect_dma semaphore(%arg18 : memref<!tpu.dma_semaphore, #tpu.memory_space<semaphore_mem>>) src(%dma_wait3A_94 : memref<10000x128xf32, #tpu.memory_space<hbm>>) dst(%arg15 : memref<128x128xf32, #tpu.memory_space<vmem>>)
      %scan3A = arith.constant 0 : i32
      %scan3A_95 = arith.constant 0 : i32
      %scan3A_96 = arith.constant 128 : i32
      %scan3A_97 = arith.addi %scan3A_95, %scan3A_96 : i32
      %scan3A_98 = arith.constant 1 : i32
      scf.for %scan3A_100 = %scan3A_95 to %scan3A_97 step %scan3A_98  : i32 {
        %get3A = arith.index_cast %scan3A_100 : i32 to index
        %get3A_101 = arith.constant 0 : index
        %get3A_102 = tpu.vector_load %arg15[%get3A, %get3A_101] {strides = array<i32>} : memref<128x128xf32, #tpu.memory_space<vmem>>, vector<1x16xf32>,
        %get3A_103 = vector.shape_cast %get3A_102 : vector<1x16xf32> to vector<16xf32>
        %get3A_104 = arith.index_cast %scan3A_100 : i32 to index
        %get3A_105 = arith.constant 0 : index
        %get3A_106 = tpu.vector_load %arg16[%get3A_104, %get3A_105] {strides = array<i32>} : memref<128x128xf32, #tpu.memory_space<vmem>>, vector<1x16xf32>,
        %get3A_107 = vector.shape_cast %get3A_106 : vector<1x16xf32> to vector<16xf32>
        %mul3A_108 = arith.mulf %get3A_103, %get3A_107 : vector<16xf32>
        %swap3A_109 = arith.index_cast %scan3A_100 : i32 to index
        %swap3A_110 = arith.constant 0 : index
        %swap3A_111 = tpu.vector_load %arg17[%swap3A_109, %swap3A_110] {strides = array<i32>} : memref<128x128xf32, #tpu.memory_space<vmem>>, vector<1x16xf32>,
        %swap3A_112 = vector.shape_cast %swap3A_111 : vector<1x16xf32> to vector<16xf32>
        %swap3A_113 = vector.shape_cast %mul3A_108 : vector<16xf32> to vector<1x16xf32>
        tpu.vector_store %arg17[%swap3A_109, %swap3A_110], %swap3A_113 {strides = array<i32>} : memref<128x128xf32, #tpu.memory_space<vmem>>, vector<1x16xf32>,
        %get3A_114 = arith.index_cast %scan3A_100 : i32 to index
        %get3A_115 = arith.constant 16 : index
        %get3A_116 = tpu.vector_load %arg15[%get3A_114, %get3A_115] {strides = array<i32>} : memref<128x128xf32, #tpu.memory_space<vmem>>, vector<1x16xf32>,
        %get3A_117 = vector.shape_cast %get3A_116 : vector<1x16xf32> to vector<16xf32>
        %get3A_118 = arith.index_cast %scan3A_100 : i32 to index
        %get3A_119 = arith.constant 16 : index
        %get3A_120 = tpu.vector_load %arg16[%get3A_118, %get3A_119] {strides = array<i32>} : memref<128x128xf32, #tpu.memory_space<vmem>>, vector<1x16xf32>,
        %get3A_121 = vector.shape_cast %get3A_120 : vector<1x16xf32> to vector<16xf32>
        %mul3A_122 = arith.mulf %get3A_117, %get3A_121 : vector<16xf32>
        %swap3A_123 = arith.index_cast %scan3A_100 : i32 to index
        %swap3A_124 = arith.constant 16 : index
        %swap3A_125 = tpu.vector_load %arg17[%swap3A_123, %swap3A_124] {strides = array<i32>} : memref<128x128xf32, #tpu.memory_space<vmem>>, vector<1x16xf32>,
        %swap3A_126 = vector.shape_cast %swap3A_125 : vector<1x16xf32> to vector<16xf32>
        %swap3A_127 = vector.shape_cast %mul3A_122 : vector<16xf32> to vector<1x16xf32>
        tpu.vector_store %arg17[%swap3A_123, %swap3A_124], %swap3A_127 {strides = array<i32>} : memref<128x128xf32, #tpu.memory_space<vmem>>, vector<1x16xf32>,
        %get3A_128 = arith.index_cast %scan3A_100 : i32 to index
        %get3A_129 = arith.constant 32 : index
        %get3A_130 = tpu.vector_load %arg15[%get3A_128, %get3A_129] {strides = array<i32>} : memref<128x128xf32, #tpu.memory_space<vmem>>, vector<1x16xf32>,
        %get3A_131 = vector.shape_cast %get3A_130 : vector<1x16xf32> to vector<16xf32>
        %get3A_132 = arith.index_cast %scan3A_100 : i32 to index
        %get3A_133 = arith.constant 32 : index
        %get3A_134 = tpu.vector_load %arg16[%get3A_132, %get3A_133] {strides = array<i32>} : memref<128x128xf32, #tpu.memory_space<vmem>>, vector<1x16xf32>,
        %get3A_135 = vector.shape_cast %get3A_134 : vector<1x16xf32> to vector<16xf32>
        %mul3A_136 = arith.mulf %get3A_131, %get3A_135 : vector<16xf32>
        %swap3A_137 = arith.index_cast %scan3A_100 : i32 to index
        %swap3A_138 = arith.constant 32 : index
        %swap3A_139 = tpu.vector_load %arg17[%swap3A_137, %swap3A_138] {strides = array<i32>} : memref<128x128xf32, #tpu.memory_space<vmem>>, vector<1x16xf32>,
        %swap3A_140 = vector.shape_cast %swap3A_139 : vector<1x16xf32> to vector<16xf32>
        %swap3A_141 = vector.shape_cast %mul3A_136 : vector<16xf32> to vector<1x16xf32>
        tpu.vector_store %arg17[%swap3A_137, %swap3A_138], %swap3A_141 {strides = array<i32>} : memref<128x128xf32, #tpu.memory_space<vmem>>, vector<1x16xf32>,
        %get3A_142 = arith.index_cast %scan3A_100 : i32 to index
        %get3A_143 = arith.constant 48 : index
        %get3A_144 = tpu.vector_load %arg15[%get3A_142, %get3A_143] {strides = array<i32>} : memref<128x128xf32, #tpu.memory_space<vmem>>, vector<1x16xf32>,
        %get3A_145 = vector.shape_cast %get3A_144 : vector<1x16xf32> to vector<16xf32>
        %get3A_146 = arith.index_cast %scan3A_100 : i32 to index
        %get3A_147 = arith.constant 48 : index
        %get3A_148 = tpu.vector_load %arg16[%get3A_146, %get3A_147] {strides = array<i32>} : memref<128x128xf32, #tpu.memory_space<vmem>>, vector<1x16xf32>,
        %get3A_149 = vector.shape_cast %get3A_148 : vector<1x16xf32> to vector<16xf32>
        %mul3A_150 = arith.mulf %get3A_145, %get3A_149 : vector<16xf32>
        %swap3A_151 = arith.index_cast %scan3A_100 : i32 to index
        %swap3A_152 = arith.constant 48 : index
        %swap3A_153 = tpu.vector_load %arg17[%swap3A_151, %swap3A_152] {strides = array<i32>} : memref<128x128xf32, #tpu.memory_space<vmem>>, vector<1x16xf32>,
        %swap3A_154 = vector.shape_cast %swap3A_153 : vector<1x16xf32> to vector<16xf32>
        %swap3A_155 = vector.shape_cast %mul3A_150 : vector<16xf32> to vector<1x16xf32>
        tpu.vector_store %arg17[%swap3A_151, %swap3A_152], %swap3A_155 {strides = array<i32>} : memref<128x128xf32, #tpu.memory_space<vmem>>, vector<1x16xf32>,
        %get3A_156 = arith.index_cast %scan3A_100 : i32 to index
        %get3A_157 = arith.constant 64 : index
        %get3A_158 = tpu.vector_load %arg15[%get3A_156, %get3A_157] {strides = array<i32>} : memref<128x128xf32, #tpu.memory_space<vmem>>, vector<1x16xf32>,
        %get3A_159 = vector.shape_cast %get3A_158 : vector<1x16xf32> to vector<16xf32>
        %get3A_160 = arith.index_cast %scan3A_100 : i32 to index
        %get3A_161 = arith.constant 64 : index
        %get3A_162 = tpu.vector_load %arg16[%get3A_160, %get3A_161] {strides = array<i32>} : memref<128x128xf32, #tpu.memory_space<vmem>>, vector<1x16xf32>,
        %get3A_163 = vector.shape_cast %get3A_162 : vector<1x16xf32> to vector<16xf32>
        %mul3A_164 = arith.mulf %get3A_159, %get3A_163 : vector<16xf32>
        %swap3A_165 = arith.index_cast %scan3A_100 : i32 to index
        %swap3A_166 = arith.constant 64 : index
        %swap3A_167 = tpu.vector_load %arg17[%swap3A_165, %swap3A_166] {strides = array<i32>} : memref<128x128xf32, #tpu.memory_space<vmem>>, vector<1x16xf32>,
        %swap3A_168 = vector.shape_cast %swap3A_167 : vector<1x16xf32> to vector<16xf32>
        %swap3A_169 = vector.shape_cast %mul3A_164 : vector<16xf32> to vector<1x16xf32>
        tpu.vector_store %arg17[%swap3A_165, %swap3A_166], %swap3A_169 {strides = array<i32>} : memref<128x128xf32, #tpu.memory_space<vmem>>, vector<1x16xf32>,
        %get3A_170 = arith.index_cast %scan3A_100 : i32 to index
        %get3A_171 = arith.constant 80 : index
        %get3A_172 = tpu.vector_load %arg15[%get3A_170, %get3A_171] {strides = array<i32>} : memref<128x128xf32, #tpu.memory_space<vmem>>, vector<1x16xf32>,
        %get3A_173 = vector.shape_cast %get3A_172 : vector<1x16xf32> to vector<16xf32>
        %get3A_174 = arith.index_cast %scan3A_100 : i32 to index
        %get3A_175 = arith.constant 80 : index
        %get3A_176 = tpu.vector_load %arg16[%get3A_174, %get3A_175] {strides = array<i32>} : memref<128x128xf32, #tpu.memory_space<vmem>>, vector<1x16xf32>,
        %get3A_177 = vector.shape_cast %get3A_176 : vector<1x16xf32> to vector<16xf32>
        %mul3A_178 = arith.mulf %get3A_173, %get3A_177 : vector<16xf32>
        %swap3A_179 = arith.index_cast %scan3A_100 : i32 to index
        %swap3A_180 = arith.constant 80 : index
        %swap3A_181 = tpu.vector_load %arg17[%swap3A_179, %swap3A_180] {strides = array<i32>} : memref<128x128xf32, #tpu.memory_space<vmem>>, vector<1x16xf32>,
        %swap3A_182 = vector.shape_cast %swap3A_181 : vector<1x16xf32> to vector<16xf32>
        %swap3A_183 = vector.shape_cast %mul3A_178 : vector<16xf32> to vector<1x16xf32>
        tpu.vector_store %arg17[%swap3A_179, %swap3A_180], %swap3A_183 {strides = array<i32>} : memref<128x128xf32, #tpu.memory_space<vmem>>, vector<1x16xf32>,
        %get3A_184 = arith.index_cast %scan3A_100 : i32 to index
        %get3A_185 = arith.constant 96 : index
        %get3A_186 = tpu.vector_load %arg15[%get3A_184, %get3A_185] {strides = array<i32>} : memref<128x128xf32, #tpu.memory_space<vmem>>, vector<1x16xf32>,
        %get3A_187 = vector.shape_cast %get3A_186 : vector<1x16xf32> to vector<16xf32>
        %get3A_188 = arith.index_cast %scan3A_100 : i32 to index
        %get3A_189 = arith.constant 96 : index
        %get3A_190 = tpu.vector_load %arg16[%get3A_188, %get3A_189] {strides = array<i32>} : memref<128x128xf32, #tpu.memory_space<vmem>>, vector<1x16xf32>,
        %get3A_191 = vector.shape_cast %get3A_190 : vector<1x16xf32> to vector<16xf32>
        %mul3A_192 = arith.mulf %get3A_187, %get3A_191 : vector<16xf32>
        %swap3A_193 = arith.index_cast %scan3A_100 : i32 to index
        %swap3A_194 = arith.constant 96 : index
        %swap3A_195 = tpu.vector_load %arg17[%swap3A_193, %swap3A_194] {strides = array<i32>} : memref<128x128xf32, #tpu.memory_space<vmem>>, vector<1x16xf32>,
        %swap3A_196 = vector.shape_cast %swap3A_195 : vector<1x16xf32> to vector<16xf32>
        %swap3A_197 = vector.shape_cast %mul3A_192 : vector<16xf32> to vector<1x16xf32>
        tpu.vector_store %arg17[%swap3A_193, %swap3A_194], %swap3A_197 {strides = array<i32>} : memref<128x128xf32, #tpu.memory_space<vmem>>, vector<1x16xf32>,
        %get3A_198 = arith.index_cast %scan3A_100 : i32 to index
        %get3A_199 = arith.constant 112 : index
        %get3A_200 = tpu.vector_load %arg15[%get3A_198, %get3A_199] {strides = array<i32>} : memref<128x128xf32, #tpu.memory_space<vmem>>, vector<1x16xf32>,
        %get3A_201 = vector.shape_cast %get3A_200 : vector<1x16xf32> to vector<16xf32>
        %get3A_202 = arith.index_cast %scan3A_100 : i32 to index
        %get3A_203 = arith.constant 112 : index
        %get3A_204 = tpu.vector_load %arg16[%get3A_202, %get3A_203] {strides = array<i32>} : memref<128x128xf32, #tpu.memory_space<vmem>>, vector<1x16xf32>,
        %get3A_205 = vector.shape_cast %get3A_204 : vector<1x16xf32> to vector<16xf32>
        %mul3A_206 = arith.mulf %get3A_201, %get3A_205 : vector<16xf32>
        %swap3A_207 = arith.index_cast %scan3A_100 : i32 to index
        %swap3A_208 = arith.constant 112 : index
        %swap3A_209 = tpu.vector_load %arg17[%swap3A_207, %swap3A_208] {strides = array<i32>} : memref<128x128xf32, #tpu.memory_space<vmem>>, vector<1x16xf32>,
        %swap3A_210 = vector.shape_cast %swap3A_209 : vector<1x16xf32> to vector<16xf32>
        %swap3A_211 = vector.shape_cast %mul3A_206 : vector<16xf32> to vector<1x16xf32>
        tpu.vector_store %arg17[%swap3A_207, %swap3A_208], %swap3A_211 {strides = array<i32>} : memref<128x128xf32, #tpu.memory_space<vmem>>, vector<1x16xf32>,
      }
      %scan3A_99 = arith.constant 128 : i32
      "tpu.region"() ({
        %run_scoped3A = tpu.sem_alloc : memref<!tpu.dma_semaphore, #tpu.memory_space<semaphore_mem>>
        %dma_start3A_100 = arith.constant 0 : i32
        %dma_start3A_101 = arith.constant 0 : i32
        %dma_start3A_102 = tpu.memref_slice %arg10[%dma_start3A_100, %dma_start3A_101] : memref<10000x128xf32, #tpu.memory_space<vmem_shared>> -> memref<10000x128xf32, #tpu.memory_space<vmem_shared>>
        tpu.enqueue_indirect_dma source(%arg17 : memref<128x128xf32, #tpu.memory_space<vmem>>) target(%dma_start3A_102 : memref<10000x128xf32, #tpu.memory_space<vmem_shared>>) offsets(%arg13 : memref<128xi32, #tpu.memory_space<vmem>>) semaphore(%run_scoped3A : memref<!tpu.dma_semaphore, #tpu.memory_space<semaphore_mem>>) {add = true}
        %dma_wait3A_103 = arith.constant 0 : i32
        %dma_wait3A_104 = arith.constant 0 : i32
        %dma_wait3A_105 = tpu.memref_slice %arg10[%dma_wait3A_103, %dma_wait3A_104] : memref<10000x128xf32, #tpu.memory_space<vmem_shared>> -> memref<10000x128xf32, #tpu.memory_space<vmem_shared>>
        tpu.wait_indirect_dma semaphore(%run_scoped3A : memref<!tpu.dma_semaphore, #tpu.memory_space<semaphore_mem>>) src(%arg17 : memref<128x128xf32, #tpu.memory_space<vmem>>) dst(%dma_wait3A_105 : memref<10000x128xf32, #tpu.memory_space<vmem_shared>>)
        tpu.yield
      }) : () -> ()
      "tpu.region"() ({
        %run_scoped3A = tpu.sem_alloc : memref<!tpu.dma_semaphore, #tpu.memory_space<semaphore_mem>>
        %dma_start3A_100 = arith.constant 0 : i32
        %dma_start3A_101 = tpu.memref_slice %arg11[%dma_start3A_100] : memref<10240xf32, #tpu.memory_space<vmem_shared>> -> memref<10240xf32, #tpu.memory_space<vmem_shared>>
        tpu.enqueue_indirect_dma source(%arg14 : memref<128xf32, #tpu.memory_space<vmem>>) target(%dma_start3A_101 : memref<10240xf32, #tpu.memory_space<vmem_shared>>) offsets(%arg13 : memref<128xi32, #tpu.memory_space<vmem>>) semaphore(%run_scoped3A : memref<!tpu.dma_semaphore, #tpu.memory_space<semaphore_mem>>) {add = true}
        %dma_wait3A_102 = arith.constant 0 : i32
        %dma_wait3A_103 = tpu.memref_slice %arg11[%dma_wait3A_102] : memref<10240xf32, #tpu.memory_space<vmem_shared>> -> memref<10240xf32, #tpu.memory_space<vmem_shared>>
        tpu.wait_indirect_dma semaphore(%run_scoped3A : memref<!tpu.dma_semaphore, #tpu.memory_space<semaphore_mem>>) src(%arg14 : memref<128xf32, #tpu.memory_space<vmem>>) dst(%dma_wait3A_103 : memref<10240xf32, #tpu.memory_space<vmem_shared>>)
        tpu.yield
      }) : () -> ()
    }
    %while3A_72 = arith.constant 1 : i32
    scf.for %while3A_87 = %while3A_70 to %while3A_66 step %while3A_72  : i32 {
      %add3A_88 = arith.addi %add3A_63, %while3A_87 : i32
      %mul3A_89 = arith.constant 128 : i32
      %mul3A_90 = arith.muli %add3A_88, %mul3A_89 : i32
      "tpu.region"() ({
        %run_scoped3A = tpu.sem_alloc : memref<!tpu.dma_semaphore, #tpu.memory_space<semaphore_mem>>
        %dma_start3A_100 = tpu.memref_slice %arg4[%mul3A_90] : memref<320000xi32, #tpu.memory_space<hbm>> -> memref<128xi32, #tpu.memory_space<hbm>>
        %dma_start3A_101 = tpu.memref_slice %arg4[%mul3A_90] : memref<320000xi32, #tpu.memory_space<hbm>> -> memref<128xi32, #tpu.memory_space<hbm>>
        tpu.enqueue_dma source(%dma_start3A_101 : memref<128xi32, #tpu.memory_space<hbm>>) target(%arg12 : memref<128xi32, #tpu.memory_space<vmem>>) target_semaphore(%run_scoped3A : memref<!tpu.dma_semaphore, #tpu.memory_space<semaphore_mem>>)
        %dma_wait3A_102 = tpu.memref_slice %arg4[%mul3A_90] : memref<320000xi32, #tpu.memory_space<hbm>> -> memref<128xi32, #tpu.memory_space<hbm>>
        %dma_wait3A_103 = tpu.memref_slice %arg4[%mul3A_90] : memref<320000xi32, #tpu.memory_space<hbm>> -> memref<128xi32, #tpu.memory_space<hbm>>
        tpu.wait_dma2 semaphore(%run_scoped3A : memref<!tpu.dma_semaphore, #tpu.memory_space<semaphore_mem>>) src(%dma_wait3A_103 : memref<128xi32, #tpu.memory_space<hbm>>) dst(%arg12 : memref<128xi32, #tpu.memory_space<vmem>>)
        tpu.yield
      }) : () -> ()
      "tpu.region"() ({
        %run_scoped3A = tpu.sem_alloc : memref<!tpu.dma_semaphore, #tpu.memory_space<semaphore_mem>>
        %dma_start3A_100 = tpu.memref_slice %arg5[%mul3A_90] : memref<320000xi32, #tpu.memory_space<hbm>> -> memref<128xi32, #tpu.memory_space<hbm>>
        %dma_start3A_101 = tpu.memref_slice %arg5[%mul3A_90] : memref<320000xi32, #tpu.memory_space<hbm>> -> memref<128xi32, #tpu.memory_space<hbm>>
        tpu.enqueue_dma source(%dma_start3A_101 : memref<128xi32, #tpu.memory_space<hbm>>) target(%arg13 : memref<128xi32, #tpu.memory_space<vmem>>) target_semaphore(%run_scoped3A : memref<!tpu.dma_semaphore, #tpu.memory_space<semaphore_mem>>)
        %dma_wait3A_102 = tpu.memref_slice %arg5[%mul3A_90] : memref<320000xi32, #tpu.memory_space<hbm>> -> memref<128xi32, #tpu.memory_space<hbm>>
        %dma_wait3A_103 = tpu.memref_slice %arg5[%mul3A_90] : memref<320000xi32, #tpu.memory_space<hbm>> -> memref<128xi32, #tpu.memory_space<hbm>>
        tpu.wait_dma2 semaphore(%run_scoped3A : memref<!tpu.dma_semaphore, #tpu.memory_space<semaphore_mem>>) src(%dma_wait3A_103 : memref<128xi32, #tpu.memory_space<hbm>>) dst(%arg13 : memref<128xi32, #tpu.memory_space<vmem>>)
        tpu.yield
      }) : () -> ()
      "tpu.region"() ({
        %run_scoped3A = tpu.sem_alloc : memref<!tpu.dma_semaphore, #tpu.memory_space<semaphore_mem>>
        %dma_start3A_100 = arith.constant 0 : i32
        %dma_start3A_101 = tpu.memref_slice %arg3[%mul3A_90, %dma_start3A_100] : memref<320000x128xf32, #tpu.memory_space<hbm>> -> memref<128x128xf32, #tpu.memory_space<hbm>>
        %dma_start3A_102 = arith.constant 0 : i32
        %dma_start3A_103 = tpu.memref_slice %arg3[%mul3A_90, %dma_start3A_102] : memref<320000x128xf32, #tpu.memory_space<hbm>> -> memref<128x128xf32, #tpu.memory_space<hbm>>
        tpu.enqueue_dma source(%dma_start3A_103 : memref<128x128xf32, #tpu.memory_space<hbm>>) target(%arg16 : memref<128x128xf32, #tpu.memory_space<vmem>>) target_semaphore(%run_scoped3A : memref<!tpu.dma_semaphore, #tpu.memory_space<semaphore_mem>>)
        %dma_wait3A_104 = arith.constant 0 : i32
        %dma_wait3A_105 = tpu.memref_slice %arg3[%mul3A_90, %dma_wait3A_104] : memref<320000x128xf32, #tpu.memory_space<hbm>> -> memref<128x128xf32, #tpu.memory_space<hbm>>
        %dma_wait3A_106 = arith.constant 0 : i32
        %dma_wait3A_107 = tpu.memref_slice %arg3[%mul3A_90, %dma_wait3A_106] : memref<320000x128xf32, #tpu.memory_space<hbm>> -> memref<128x128xf32, #tpu.memory_space<hbm>>
        tpu.wait_dma2 semaphore(%run_scoped3A : memref<!tpu.dma_semaphore, #tpu.memory_space<semaphore_mem>>) src(%dma_wait3A_107 : memref<128x128xf32, #tpu.memory_space<hbm>>) dst(%arg16 : memref<128x128xf32, #tpu.memory_space<vmem>>)
        tpu.yield
      }) : () -> ()
      %dma_start3A = arith.constant 0 : i32
      %dma_start3A_91 = arith.constant 0 : i32
      %dma_start3A_92 = tpu.memref_slice %arg2[%dma_start3A, %dma_start3A_91] : memref<10000x128xf32, #tpu.memory_space<hbm>> -> memref<10000x128xf32, #tpu.memory_space<hbm>>
      tpu.enqueue_indirect_dma source(%dma_start3A_92 : memref<10000x128xf32, #tpu.memory_space<hbm>>) target(%arg15 : memref<128x128xf32, #tpu.memory_space<vmem>>) offsets(%arg12 : memref<128xi32, #tpu.memory_space<vmem>>) semaphore(%arg18 : memref<!tpu.dma_semaphore, #tpu.memory_space<semaphore_mem>>)
      %dma_wait3A = arith.constant 0 : i32
      %dma_wait3A_93 = arith.constant 0 : i32
      %dma_wait3A_94 = tpu.memref_slice %arg2[%dma_wait3A, %dma_wait3A_93] : memref<10000x128xf32, #tpu.memory_space<hbm>> -> memref<10000x128xf32, #tpu.memory_space<hbm>>
      tpu.wait_indirect_dma semaphore(%arg18 : memref<!tpu.dma_semaphore, #tpu.memory_space<semaphore_mem>>) src(%dma_wait3A_94 : memref<10000x128xf32, #tpu.memory_space<hbm>>) dst(%arg15 : memref<128x128xf32, #tpu.memory_space<vmem>>)
      %scan3A = arith.constant 0 : i32
      %scan3A_95 = arith.constant 0 : i32
      %scan3A_96 = arith.constant 128 : i32
      %scan3A_97 = arith.addi %scan3A_95, %scan3A_96 : i32
      %scan3A_98 = arith.constant 1 : i32
      scf.for %scan3A_100 = %scan3A_95 to %scan3A_97 step %scan3A_98  : i32 {
        %get3A = arith.index_cast %scan3A_100 : i32 to index
        %get3A_101 = arith.constant 0 : index
        %get3A_102 = tpu.vector_load %arg15[%get3A, %get3A_101] {strides = array<i32>} : memref<128x128xf32, #tpu.memory_space<vmem>>, vector<1x16xf32>,
        %get3A_103 = vector.shape_cast %get3A_102 : vector<1x16xf32> to vector<16xf32>
        %get3A_104 = arith.index_cast %scan3A_100 : i32 to index
        %get3A_105 = arith.constant 0 : index
        %get3A_106 = tpu.vector_load %arg16[%get3A_104, %get3A_105] {strides = array<i32>} : memref<128x128xf32, #tpu.memory_space<vmem>>, vector<1x16xf32>,
        %get3A_107 = vector.shape_cast %get3A_106 : vector<1x16xf32> to vector<16xf32>
        %mul3A_108 = arith.mulf %get3A_103, %get3A_107 : vector<16xf32>
        %swap3A_109 = arith.index_cast %scan3A_100 : i32 to index
        %swap3A_110 = arith.constant 0 : index
        %swap3A_111 = tpu.vector_load %arg17[%swap3A_109, %swap3A_110] {strides = array<i32>} : memref<128x128xf32, #tpu.memory_space<vmem>>, vector<1x16xf32>,
        %swap3A_112 = vector.shape_cast %swap3A_111 : vector<1x16xf32> to vector<16xf32>
        %swap3A_113 = vector.shape_cast %mul3A_108 : vector<16xf32> to vector<1x16xf32>
        tpu.vector_store %arg17[%swap3A_109, %swap3A_110], %swap3A_113 {strides = array<i32>} : memref<128x128xf32, #tpu.memory_space<vmem>>, vector<1x16xf32>,
        %get3A_114 = arith.index_cast %scan3A_100 : i32 to index
        %get3A_115 = arith.constant 16 : index
        %get3A_116 = tpu.vector_load %arg15[%get3A_114, %get3A_115] {strides = array<i32>} : memref<128x128xf32, #tpu.memory_space<vmem>>, vector<1x16xf32>,
        %get3A_117 = vector.shape_cast %get3A_116 : vector<1x16xf32> to vector<16xf32>
        %get3A_118 = arith.index_cast %scan3A_100 : i32 to index
        %get3A_119 = arith.constant 16 : index
        %get3A_120 = tpu.vector_load %arg16[%get3A_118, %get3A_119] {strides = array<i32>} : memref<128x128xf32, #tpu.memory_space<vmem>>, vector<1x16xf32>,
        %get3A_121 = vector.shape_cast %get3A_120 : vector<1x16xf32> to vector<16xf32>
        %mul3A_122 = arith.mulf %get3A_117, %get3A_121 : vector<16xf32>
        %swap3A_123 = arith.index_cast %scan3A_100 : i32 to index
        %swap3A_124 = arith.constant 16 : index
        %swap3A_125 = tpu.vector_load %arg17[%swap3A_123, %swap3A_124] {strides = array<i32>} : memref<128x128xf32, #tpu.memory_space<vmem>>, vector<1x16xf32>,
        %swap3A_126 = vector.shape_cast %swap3A_125 : vector<1x16xf32> to vector<16xf32>
        %swap3A_127 = vector.shape_cast %mul3A_122 : vector<16xf32> to vector<1x16xf32>
        tpu.vector_store %arg17[%swap3A_123, %swap3A_124], %swap3A_127 {strides = array<i32>} : memref<128x128xf32, #tpu.memory_space<vmem>>, vector<1x16xf32>,
        %get3A_128 = arith.index_cast %scan3A_100 : i32 to index
        %get3A_129 = arith.constant 32 : index
        %get3A_130 = tpu.vector_load %arg15[%get3A_128, %get3A_129] {strides = array<i32>} : memref<128x128xf32, #tpu.memory_space<vmem>>, vector<1x16xf32>,
        %get3A_131 = vector.shape_cast %get3A_130 : vector<1x16xf32> to vector<16xf32>
        %get3A_132 = arith.index_cast %scan3A_100 : i32 to index
        %get3A_133 = arith.constant 32 : index
        %get3A_134 = tpu.vector_load %arg16[%get3A_132, %get3A_133] {strides = array<i32>} : memref<128x128xf32, #tpu.memory_space<vmem>>, vector<1x16xf32>,
        %get3A_135 = vector.shape_cast %get3A_134 : vector<1x16xf32> to vector<16xf32>
        %mul3A_136 = arith.mulf %get3A_131, %get3A_135 : vector<16xf32>
        %swap3A_137 = arith.index_cast %scan3A_100 : i32 to index
        %swap3A_138 = arith.constant 32 : index
        %swap3A_139 = tpu.vector_load %arg17[%swap3A_137, %swap3A_138] {strides = array<i32>} : memref<128x128xf32, #tpu.memory_space<vmem>>, vector<1x16xf32>,
        %swap3A_140 = vector.shape_cast %swap3A_139 : vector<1x16xf32> to vector<16xf32>
        %swap3A_141 = vector.shape_cast %mul3A_136 : vector<16xf32> to vector<1x16xf32>
        tpu.vector_store %arg17[%swap3A_137, %swap3A_138], %swap3A_141 {strides = array<i32>} : memref<128x128xf32, #tpu.memory_space<vmem>>, vector<1x16xf32>,
        %get3A_142 = arith.index_cast %scan3A_100 : i32 to index
        %get3A_143 = arith.constant 48 : index
        %get3A_144 = tpu.vector_load %arg15[%get3A_142, %get3A_143] {strides = array<i32>} : memref<128x128xf32, #tpu.memory_space<vmem>>, vector<1x16xf32>,
        %get3A_145 = vector.shape_cast %get3A_144 : vector<1x16xf32> to vector<16xf32>
        %get3A_146 = arith.index_cast %scan3A_100 : i32 to index
        %get3A_147 = arith.constant 48 : index
        %get3A_148 = tpu.vector_load %arg16[%get3A_146, %get3A_147] {strides = array<i32>} : memref<128x128xf32, #tpu.memory_space<vmem>>, vector<1x16xf32>,
        %get3A_149 = vector.shape_cast %get3A_148 : vector<1x16xf32> to vector<16xf32>
        %mul3A_150 = arith.mulf %get3A_145, %get3A_149 : vector<16xf32>
        %swap3A_151 = arith.index_cast %scan3A_100 : i32 to index
        %swap3A_152 = arith.constant 48 : index
        %swap3A_153 = tpu.vector_load %arg17[%swap3A_151, %swap3A_152] {strides = array<i32>} : memref<128x128xf32, #tpu.memory_space<vmem>>, vector<1x16xf32>,
        %swap3A_154 = vector.shape_cast %swap3A_153 : vector<1x16xf32> to vector<16xf32>
        %swap3A_155 = vector.shape_cast %mul3A_150 : vector<16xf32> to vector<1x16xf32>
        tpu.vector_store %arg17[%swap3A_151, %swap3A_152], %swap3A_155 {strides = array<i32>} : memref<128x128xf32, #tpu.memory_space<vmem>>, vector<1x16xf32>,
        %get3A_156 = arith.index_cast %scan3A_100 : i32 to index
        %get3A_157 = arith.constant 64 : index
        %get3A_158 = tpu.vector_load %arg15[%get3A_156, %get3A_157] {strides = array<i32>} : memref<128x128xf32, #tpu.memory_space<vmem>>, vector<1x16xf32>,
        %get3A_159 = vector.shape_cast %get3A_158 : vector<1x16xf32> to vector<16xf32>
        %get3A_160 = arith.index_cast %scan3A_100 : i32 to index
        %get3A_161 = arith.constant 64 : index
        %get3A_162 = tpu.vector_load %arg16[%get3A_160, %get3A_161] {strides = array<i32>} : memref<128x128xf32, #tpu.memory_space<vmem>>, vector<1x16xf32>,
        %get3A_163 = vector.shape_cast %get3A_162 : vector<1x16xf32> to vector<16xf32>
        %mul3A_164 = arith.mulf %get3A_159, %get3A_163 : vector<16xf32>
        %swap3A_165 = arith.index_cast %scan3A_100 : i32 to index
        %swap3A_166 = arith.constant 64 : index
        %swap3A_167 = tpu.vector_load %arg17[%swap3A_165, %swap3A_166] {strides = array<i32>} : memref<128x128xf32, #tpu.memory_space<vmem>>, vector<1x16xf32>,
        %swap3A_168 = vector.shape_cast %swap3A_167 : vector<1x16xf32> to vector<16xf32>
        %swap3A_169 = vector.shape_cast %mul3A_164 : vector<16xf32> to vector<1x16xf32>
        tpu.vector_store %arg17[%swap3A_165, %swap3A_166], %swap3A_169 {strides = array<i32>} : memref<128x128xf32, #tpu.memory_space<vmem>>, vector<1x16xf32>,
        %get3A_170 = arith.index_cast %scan3A_100 : i32 to index
        %get3A_171 = arith.constant 80 : index
        %get3A_172 = tpu.vector_load %arg15[%get3A_170, %get3A_171] {strides = array<i32>} : memref<128x128xf32, #tpu.memory_space<vmem>>, vector<1x16xf32>,
        %get3A_173 = vector.shape_cast %get3A_172 : vector<1x16xf32> to vector<16xf32>
        %get3A_174 = arith.index_cast %scan3A_100 : i32 to index
        %get3A_175 = arith.constant 80 : index
        %get3A_176 = tpu.vector_load %arg16[%get3A_174, %get3A_175] {strides = array<i32>} : memref<128x128xf32, #tpu.memory_space<vmem>>, vector<1x16xf32>,
        %get3A_177 = vector.shape_cast %get3A_176 : vector<1x16xf32> to vector<16xf32>
        %mul3A_178 = arith.mulf %get3A_173, %get3A_177 : vector<16xf32>
        %swap3A_179 = arith.index_cast %scan3A_100 : i32 to index
        %swap3A_180 = arith.constant 80 : index
        %swap3A_181 = tpu.vector_load %arg17[%swap3A_179, %swap3A_180] {strides = array<i32>} : memref<128x128xf32, #tpu.memory_space<vmem>>, vector<1x16xf32>,
        %swap3A_182 = vector.shape_cast %swap3A_181 : vector<1x16xf32> to vector<16xf32>
        %swap3A_183 = vector.shape_cast %mul3A_178 : vector<16xf32> to vector<1x16xf32>
        tpu.vector_store %arg17[%swap3A_179, %swap3A_180], %swap3A_183 {strides = array<i32>} : memref<128x128xf32, #tpu.memory_space<vmem>>, vector<1x16xf32>,
        %get3A_184 = arith.index_cast %scan3A_100 : i32 to index
        %get3A_185 = arith.constant 96 : index
        %get3A_186 = tpu.vector_load %arg15[%get3A_184, %get3A_185] {strides = array<i32>} : memref<128x128xf32, #tpu.memory_space<vmem>>, vector<1x16xf32>,
        %get3A_187 = vector.shape_cast %get3A_186 : vector<1x16xf32> to vector<16xf32>
        %get3A_188 = arith.index_cast %scan3A_100 : i32 to index
        %get3A_189 = arith.constant 96 : index
        %get3A_190 = tpu.vector_load %arg16[%get3A_188, %get3A_189] {strides = array<i32>} : memref<128x128xf32, #tpu.memory_space<vmem>>, vector<1x16xf32>,
        %get3A_191 = vector.shape_cast %get3A_190 : vector<1x16xf32> to vector<16xf32>
        %mul3A_192 = arith.mulf %get3A_187, %get3A_191 : vector<16xf32>
        %swap3A_193 = arith.index_cast %scan3A_100 : i32 to index
        %swap3A_194 = arith.constant 96 : index
        %swap3A_195 = tpu.vector_load %arg17[%swap3A_193, %swap3A_194] {strides = array<i32>} : memref<128x128xf32, #tpu.memory_space<vmem>>, vector<1x16xf32>,
        %swap3A_196 = vector.shape_cast %swap3A_195 : vector<1x16xf32> to vector<16xf32>
        %swap3A_197 = vector.shape_cast %mul3A_192 : vector<16xf32> to vector<1x16xf32>
        tpu.vector_store %arg17[%swap3A_193, %swap3A_194], %swap3A_197 {strides = array<i32>} : memref<128x128xf32, #tpu.memory_space<vmem>>, vector<1x16xf32>,
        %get3A_198 = arith.index_cast %scan3A_100 : i32 to index
        %get3A_199 = arith.constant 112 : index
        %get3A_200 = tpu.vector_load %arg15[%get3A_198, %get3A_199] {strides = array<i32>} : memref<128x128xf32, #tpu.memory_space<vmem>>, vector<1x16xf32>,
        %get3A_201 = vector.shape_cast %get3A_200 : vector<1x16xf32> to vector<16xf32>
        %get3A_202 = arith.index_cast %scan3A_100 : i32 to index
        %get3A_203 = arith.constant 112 : index
        %get3A_204 = tpu.vector_load %arg16[%get3A_202, %get3A_203] {strides = array<i32>} : memref<128x128xf32, #tpu.memory_space<vmem>>, vector<1x16xf32>,
        %get3A_205 = vector.shape_cast %get3A_204 : vector<1x16xf32> to vector<16xf32>
        %mul3A_206 = arith.mulf %get3A_201, %get3A_205 : vector<16xf32>
        %swap3A_207 = arith.index_cast %scan3A_100 : i32 to index
        %swap3A_208 = arith.constant 112 : index
        %swap3A_209 = tpu.vector_load %arg17[%swap3A_207, %swap3A_208] {strides = array<i32>} : memref<128x128xf32, #tpu.memory_space<vmem>>, vector<1x16xf32>,
        %swap3A_210 = vector.shape_cast %swap3A_209 : vector<1x16xf32> to vector<16xf32>
        %swap3A_211 = vector.shape_cast %mul3A_206 : vector<16xf32> to vector<1x16xf32>
        tpu.vector_store %arg17[%swap3A_207, %swap3A_208], %swap3A_211 {strides = array<i32>} : memref<128x128xf32, #tpu.memory_space<vmem>>, vector<1x16xf32>,
      }
      %scan3A_99 = arith.constant 128 : i32
      "tpu.region"() ({
        %run_scoped3A = tpu.sem_alloc : memref<!tpu.dma_semaphore, #tpu.memory_space<semaphore_mem>>
        %dma_start3A_100 = arith.constant 0 : i32
        %dma_start3A_101 = arith.constant 0 : i32
        %dma_start3A_102 = tpu.memref_slice %arg10[%dma_start3A_100, %dma_start3A_101] : memref<10000x128xf32, #tpu.memory_space<vmem_shared>> -> memref<10000x128xf32, #tpu.memory_space<vmem_shared>>
        tpu.enqueue_indirect_dma source(%arg17 : memref<128x128xf32, #tpu.memory_space<vmem>>) target(%dma_start3A_102 : memref<10000x128xf32, #tpu.memory_space<vmem_shared>>) offsets(%arg13 : memref<128xi32, #tpu.memory_space<vmem>>) semaphore(%run_scoped3A : memref<!tpu.dma_semaphore, #tpu.memory_space<semaphore_mem>>) {add = true}
        %dma_wait3A_103 = arith.constant 0 : i32
        %dma_wait3A_104 = arith.constant 0 : i32
        %dma_wait3A_105 = tpu.memref_slice %arg10[%dma_wait3A_103, %dma_wait3A_104] : memref<10000x128xf32, #tpu.memory_space<vmem_shared>> -> memref<10000x128xf32, #tpu.memory_space<vmem_shared>>
        tpu.wait_indirect_dma semaphore(%run_scoped3A : memref<!tpu.dma_semaphore, #tpu.memory_space<semaphore_mem>>) src(%arg17 : memref<128x128xf32, #tpu.memory_space<vmem>>) dst(%dma_wait3A_105 : memref<10000x128xf32, #tpu.memory_space<vmem_shared>>)
        tpu.yield
      }) : () -> ()
      "tpu.region"() ({
        %run_scoped3A = tpu.sem_alloc : memref<!tpu.dma_semaphore, #tpu.memory_space<semaphore_mem>>
        %dma_start3A_100 = arith.constant 0 : i32
        %dma_start3A_101 = tpu.memref_slice %arg11[%dma_start3A_100] : memref<10240xf32, #tpu.memory_space<vmem_shared>> -> memref<10240xf32, #tpu.memory_space<vmem_shared>>
        tpu.enqueue_indirect_dma source(%arg14 : memref<128xf32, #tpu.memory_space<vmem>>) target(%dma_start3A_101 : memref<10240xf32, #tpu.memory_space<vmem_shared>>) offsets(%arg13 : memref<128xi32, #tpu.memory_space<vmem>>) semaphore(%run_scoped3A : memref<!tpu.dma_semaphore, #tpu.memory_space<semaphore_mem>>) {add = true}
        %dma_wait3A_102 = arith.constant 0 : i32
        %dma_wait3A_103 = tpu.memref_slice %arg11[%dma_wait3A_102] : memref<10240xf32, #tpu.memory_space<vmem_shared>> -> memref<10240xf32, #tpu.memory_space<vmem_shared>>
        tpu.wait_indirect_dma semaphore(%run_scoped3A : memref<!tpu.dma_semaphore, #tpu.memory_space<semaphore_mem>>) src(%arg14 : memref<128xf32, #tpu.memory_space<vmem>>) dst(%dma_wait3A_103 : memref<10240xf32, #tpu.memory_space<vmem_shared>>)
        tpu.yield
      }) : () -> ()
    }
    %barrier3A_73 = arith.constant 0 : index
    tpu.barrier barrier_id(%barrier3A_73)
    %lt3A_74 = arith.constant 15 : i32
    %lt3A_75 = arith.cmpi slt, %arg1, %lt3A_74 : i32
    %convert_element_type3A_76 = arith.extui %lt3A_75 : i1 to i32
    %cond3A_77 = arith.constant 0 : i32
    %cond3A_78 = arith.cmpi ne, %convert_element_type3A_76, %cond3A_77 : i32
    scf.if %cond3A_78 {
      "tpu.region"() ({
        %run_scoped3A = tpu.sem_alloc : memref<!tpu.dma_semaphore, #tpu.memory_space<semaphore_mem>>
        %dma_start3A = arith.constant 0 : i32
        %dma_start3A_87 = tpu.memref_slice %arg8[%arg0, %mul3A_0, %dma_start3A] : memref<2x10000x128xf32, #tpu.memory_space<hbm>> -> memref<1x624x128xf32, #tpu.memory_space<hbm>>
        %dma_start3A_88 = tpu.memref_squeeze %dma_start3A_87 : memref<1x624x128xf32, #tpu.memory_space<hbm>> -> memref<624x128xf32, #tpu.memory_space<hbm>>
        %dma_start3A_89 = arith.constant 0 : i32
        %dma_start3A_90 = tpu.memref_slice %arg10[%mul3A_0, %dma_start3A_89] : memref<10000x128xf32, #tpu.memory_space<vmem_shared>> -> memref<624x128xf32, #tpu.memory_space<vmem_shared>>
        tpu.enqueue_dma source(%dma_start3A_90 : memref<624x128xf32, #tpu.memory_space<vmem_shared>>) target(%dma_start3A_88 : memref<624x128xf32, #tpu.memory_space<hbm>>) target_semaphore(%run_scoped3A : memref<!tpu.dma_semaphore, #tpu.memory_space<semaphore_mem>>)
        %dma_wait3A = arith.constant 0 : i32
        %dma_wait3A_91 = tpu.memref_slice %arg8[%arg0, %mul3A_0, %dma_wait3A] : memref<2x10000x128xf32, #tpu.memory_space<hbm>> -> memref<1x624x128xf32, #tpu.memory_space<hbm>>
        %dma_wait3A_92 = tpu.memref_squeeze %dma_wait3A_91 : memref<1x624x128xf32, #tpu.memory_space<hbm>> -> memref<624x128xf32, #tpu.memory_space<hbm>>
        %dma_wait3A_93 = arith.constant 0 : i32
        %dma_wait3A_94 = tpu.memref_slice %arg10[%mul3A_0, %dma_wait3A_93] : memref<10000x128xf32, #tpu.memory_space<vmem_shared>> -> memref<624x128xf32, #tpu.memory_space<vmem_shared>>
        tpu.wait_dma2 semaphore(%run_scoped3A : memref<!tpu.dma_semaphore, #tpu.memory_space<semaphore_mem>>) src(%dma_wait3A_94 : memref<624x128xf32, #tpu.memory_space<vmem_shared>>) dst(%dma_wait3A_92 : memref<624x128xf32, #tpu.memory_space<hbm>>)
        tpu.yield
      }) : () -> ()
    } else {
    }
    %eq3A_79 = arith.constant 15 : i32
    %eq3A_80 = arith.cmpi eq, %arg1, %eq3A_79 : i32
    %convert_element_type3A_81 = arith.extui %eq3A_80 : i1 to i32
    %cond3A_82 = arith.constant 0 : i32
    %cond3A_83 = arith.cmpi ne, %convert_element_type3A_81, %cond3A_82 : i32
    scf.if %cond3A_83 {
      "tpu.region"() ({
        %run_scoped3A = tpu.sem_alloc : memref<!tpu.dma_semaphore, #tpu.memory_space<semaphore_mem>>
        %dma_start3A = arith.constant 0 : i32
        %dma_start3A_87 = tpu.memref_slice %arg8[%arg0, %mul3A_0, %dma_start3A] : memref<2x10000x128xf32, #tpu.memory_space<hbm>> -> memref<1x640x128xf32, #tpu.memory_space<hbm>>
        %dma_start3A_88 = tpu.memref_squeeze %dma_start3A_87 : memref<1x640x128xf32, #tpu.memory_space<hbm>> -> memref<640x128xf32, #tpu.memory_space<hbm>>
        %dma_start3A_89 = arith.constant 0 : i32
        %dma_start3A_90 = tpu.memref_slice %arg10[%mul3A_0, %dma_start3A_89] : memref<10000x128xf32, #tpu.memory_space<vmem_shared>> -> memref<640x128xf32, #tpu.memory_space<vmem_shared>>
        tpu.enqueue_dma source(%dma_start3A_90 : memref<640x128xf32, #tpu.memory_space<vmem_shared>>) target(%dma_start3A_88 : memref<640x128xf32, #tpu.memory_space<hbm>>) target_semaphore(%run_scoped3A : memref<!tpu.dma_semaphore, #tpu.memory_space<semaphore_mem>>)
        %dma_wait3A = arith.constant 0 : i32
        %dma_wait3A_91 = tpu.memref_slice %arg8[%arg0, %mul3A_0, %dma_wait3A] : memref<2x10000x128xf32, #tpu.memory_space<hbm>> -> memref<1x640x128xf32, #tpu.memory_space<hbm>>
        %dma_wait3A_92 = tpu.memref_squeeze %dma_wait3A_91 : memref<1x640x128xf32, #tpu.memory_space<hbm>> -> memref<640x128xf32, #tpu.memory_space<hbm>>
        %dma_wait3A_93 = arith.constant 0 : i32
        %dma_wait3A_94 = tpu.memref_slice %arg10[%mul3A_0, %dma_wait3A_93] : memref<10000x128xf32, #tpu.memory_space<vmem_shared>> -> memref<640x128xf32, #tpu.memory_space<vmem_shared>>
        tpu.wait_dma2 semaphore(%run_scoped3A : memref<!tpu.dma_semaphore, #tpu.memory_space<semaphore_mem>>) src(%dma_wait3A_94 : memref<640x128xf32, #tpu.memory_space<vmem_shared>>) dst(%dma_wait3A_92 : memref<640x128xf32, #tpu.memory_space<hbm>>)
        tpu.yield
      }) : () -> ()
    } else {
    }
    %mul3A_84 = arith.constant 10240 : i32
    %mul3A_85 = arith.muli %arg0, %mul3A_84 : i32
    %add3A_86 = arith.addi %mul3A_85, %mul3A_8 : i32
    "tpu.region"() ({
      %run_scoped3A = tpu.sem_alloc : memref<!tpu.dma_semaphore, #tpu.memory_space<semaphore_mem>>
      %dma_start3A = tpu.memref_slice %arg9[%add3A_86] : memref<20480xf32, #tpu.memory_space<hbm>> -> memref<640xf32, #tpu.memory_space<hbm>>
      %dma_start3A_87 = tpu.memref_slice %arg11[%mul3A_8] : memref<10240xf32, #tpu.memory_space<vmem_shared>> -> memref<640xf32, #tpu.memory_space<vmem_shared>>
      tpu.enqueue_dma source(%dma_start3A_87 : memref<640xf32, #tpu.memory_space<vmem_shared>>) target(%dma_start3A : memref<640xf32, #tpu.memory_space<hbm>>) target_semaphore(%run_scoped3A : memref<!tpu.dma_semaphore, #tpu.memory_space<semaphore_mem>>)
      %dma_wait3A = tpu.memref_slice %arg9[%add3A_86] : memref<20480xf32, #tpu.memory_space<hbm>> -> memref<640xf32, #tpu.memory_space<hbm>>
      %dma_wait3A_88 = tpu.memref_slice %arg11[%mul3A_8] : memref<10240xf32, #tpu.memory_space<vmem_shared>> -> memref<640xf32, #tpu.memory_space<vmem_shared>>
      tpu.wait_dma2 semaphore(%run_scoped3A : memref<!tpu.dma_semaphore, #tpu.memory_space<semaphore_mem>>) src(%dma_wait3A_88 : memref<640xf32, #tpu.memory_space<vmem_shared>>) dst(%dma_wait3A : memref<640xf32, #tpu.memory_space<hbm>>)
      tpu.yield
    }) : () -> ()
    return
  }
}

#map = affine_map<(d0, d1) -> (0, 0)>
#map1 = affine_map<(d0, d1) -> (0)>
#map2 = affine_map<(d0, d1) -> (0, 0, 0)>
module attributes {stable_mosaic.version = 14 : i64} {
  func.func @_sc_propagate_body(%arg0: i32, %arg1: i32, %arg2: memref<10000x128xf32, #tpu.memory_space<hbm>>, %arg3: memref<320000x128xf32, #tpu.memory_space<hbm>>, %arg4: memref<320000xi32, #tpu.memory_space<hbm>>, %arg5: memref<320000xi32, #tpu.memory_space<hbm>>, %arg6: memref<10000x128xf32, #tpu.memory_space<hbm>>, %arg7: memref<10240xf32, #tpu.memory_space<hbm>>, %arg8: memref<2x10000x128xf32, #tpu.memory_space<hbm>>, %arg9: memref<20480xf32, #tpu.memory_space<hbm>>, %arg10: memref<10000x128xf32, #tpu.memory_space<vmem_shared>>, %arg11: memref<10240xf32, #tpu.memory_space<vmem_shared>>, %arg12: memref<128xi32, #tpu.memory_space<vmem>>, %arg13: memref<128xi32, #tpu.memory_space<vmem>>, %arg14: memref<128xf32, #tpu.memory_space<vmem>>, %arg15: memref<128x128xf32, #tpu.memory_space<vmem>>, %arg16: memref<128x128xf32, #tpu.memory_space<vmem>>, %arg17: memref<128x128xf32, #tpu.memory_space<vmem>>, %arg18: memref<!tpu.dma_semaphore, #tpu.memory_space<semaphore_mem>>) attributes {dimension_semantics = [#tpu.dimension_semantics<core_parallel>, #tpu.dimension_semantics<subcore_parallel>], iteration_bounds = array<i64: 2, 16>, scalar_prefetch = 0 : i64, scratch_operands = 9 : i64, tpu.core_type = #tpu.core_type<sc_vector_subcore>, window_params = [{transform_indices = #map}, {transform_indices = #map}, {transform_indices = #map1}, {transform_indices = #map1}, {transform_indices = #map}, {transform_indices = #map1}, {transform_indices = #map2}, {transform_indices = #map1}]} {
    %mul3A = arith.constant 624 : i32
    %mul3A_0 = arith.muli %arg1, %mul3A : i32
    %lt3A = arith.constant 15 : i32
    %lt3A_1 = arith.cmpi slt, %arg1, %lt3A : i32
    %convert_element_type3A = arith.extui %lt3A_1 : i1 to i32
    %cond3A = arith.constant 0 : i32
    %cond3A_2 = arith.cmpi ne, %convert_element_type3A, %cond3A : i32
    scf.if %cond3A_2 {
      "tpu.region"() ({
        %run_scoped3A = tpu.sem_alloc : memref<!tpu.dma_semaphore, #tpu.memory_space<semaphore_mem>>
        %dma_start3A = arith.constant 0 : i32
        %dma_start3A_87 = tpu.memref_slice %arg10[%mul3A_0, %dma_start3A] : memref<10000x128xf32, #tpu.memory_space<vmem_shared>> -> memref<624x128xf32, #tpu.memory_space<vmem_shared>>
        %dma_start3A_88 = arith.constant 0 : i32
        %dma_start3A_89 = tpu.memref_slice %arg6[%mul3A_0, %dma_start3A_88] : memref<10000x128xf32, #tpu.memory_space<hbm>> -> memref<624x128xf32, #tpu.memory_space<hbm>>
        tpu.enqueue_dma source(%dma_start3A_89 : memref<624x128xf32, #tpu.memory_space<hbm>>) target(%dma_start3A_87 : memref<624x128xf32, #tpu.memory_space<vmem_shared>>) target_semaphore(%run_scoped3A : memref<!tpu.dma_semaphore, #tpu.memory_space<semaphore_mem>>)
        %dma_wait3A = arith.constant 0 : i32
        %dma_wait3A_90 = tpu.memref_slice %arg10[%mul3A_0, %dma_wait3A] : memref<10000x128xf32, #tpu.memory_space<vmem_shared>> -> memref<624x128xf32, #tpu.memory_space<vmem_shared>>
        %dma_wait3A_91 = arith.constant 0 : i32
        %dma_wait3A_92 = tpu.memref_slice %arg6[%mul3A_0, %dma_wait3A_91] : memref<10000x128xf32, #tpu.memory_space<hbm>> -> memref<624x128xf32, #tpu.memory_space<hbm>>
        tpu.wait_dma2 semaphore(%run_scoped3A : memref<!tpu.dma_semaphore, #tpu.memory_space<semaphore_mem>>) src(%dma_wait3A_92 : memref<624x128xf32, #tpu.memory_space<hbm>>) dst(%dma_wait3A_90 : memref<624x128xf32, #tpu.memory_space<vmem_shared>>)
        tpu.yield
      }) : () -> ()
    } else {
    }
    %eq3A = arith.constant 15 : i32
    %eq3A_3 = arith.cmpi eq, %arg1, %eq3A : i32
    %convert_element_type3A_4 = arith.extui %eq3A_3 : i1 to i32
    %cond3A_5 = arith.constant 0 : i32
    %cond3A_6 = arith.cmpi ne, %convert_element_type3A_4, %cond3A_5 : i32
    scf.if %cond3A_6 {
      "tpu.region"() ({
        %run_scoped3A = tpu.sem_alloc : memref<!tpu.dma_semaphore, #tpu.memory_space<semaphore_mem>>
        %dma_start3A = arith.constant 0 : i32
        %dma_start3A_87 = tpu.memref_slice %arg10[%mul3A_0, %dma_start3A] : memref<10000x128xf32, #tpu.memory_space<vmem_shared>> -> memref<640x128xf32, #tpu.memory_space<vmem_shared>>
        %dma_start3A_88 = arith.constant 0 : i32
        %dma_start3A_89 = tpu.memref_slice %arg6[%mul3A_0, %dma_start3A_88] : memref<10000x128xf32, #tpu.memory_space<hbm>> -> memref<640x128xf32, #tpu.memory_space<hbm>>
        tpu.enqueue_dma source(%dma_start3A_89 : memref<640x128xf32, #tpu.memory_space<hbm>>) target(%dma_start3A_87 : memref<640x128xf32, #tpu.memory_space<vmem_shared>>) target_semaphore(%run_scoped3A : memref<!tpu.dma_semaphore, #tpu.memory_space<semaphore_mem>>)
        %dma_wait3A = arith.constant 0 : i32
        %dma_wait3A_90 = tpu.memref_slice %arg10[%mul3A_0, %dma_wait3A] : memref<10000x128xf32, #tpu.memory_space<vmem_shared>> -> memref<640x128xf32, #tpu.memory_space<vmem_shared>>
        %dma_wait3A_91 = arith.constant 0 : i32
        %dma_wait3A_92 = tpu.memref_slice %arg6[%mul3A_0, %dma_wait3A_91] : memref<10000x128xf32, #tpu.memory_space<hbm>> -> memref<640x128xf32, #tpu.memory_space<hbm>>
        tpu.wait_dma2 semaphore(%run_scoped3A : memref<!tpu.dma_semaphore, #tpu.memory_space<semaphore_mem>>) src(%dma_wait3A_92 : memref<640x128xf32, #tpu.memory_space<hbm>>) dst(%dma_wait3A_90 : memref<640x128xf32, #tpu.memory_space<vmem_shared>>)
        tpu.yield
      }) : () -> ()
    } else {
    }
    %mul3A_7 = arith.constant 640 : i32
    %mul3A_8 = arith.muli %arg1, %mul3A_7 : i32
    "tpu.region"() ({
      %run_scoped3A = tpu.sem_alloc : memref<!tpu.dma_semaphore, #tpu.memory_space<semaphore_mem>>
      %dma_start3A = tpu.memref_slice %arg11[%mul3A_8] : memref<10240xf32, #tpu.memory_space<vmem_shared>> -> memref<640xf32, #tpu.memory_space<vmem_shared>>
      %dma_start3A_87 = tpu.memref_slice %arg7[%mul3A_8] : memref<10240xf32, #tpu.memory_space<hbm>> -> memref<640xf32, #tpu.memory_space<hbm>>
      tpu.enqueue_dma source(%dma_start3A_87 : memref<640xf32, #tpu.memory_space<hbm>>) target(%dma_start3A : memref<640xf32, #tpu.memory_space<vmem_shared>>) target_semaphore(%run_scoped3A : memref<!tpu.dma_semaphore, #tpu.memory_space<semaphore_mem>>)
      %dma_wait3A = tpu.memref_slice %arg11[%mul3A_8] : memref<10240xf32, #tpu.memory_space<vmem_shared>> -> memref<640xf32, #tpu.memory_space<vmem_shared>>
      %dma_wait3A_88 = tpu.memref_slice %arg7[%mul3A_8] : memref<10240xf32, #tpu.memory_space<hbm>> -> memref<640xf32, #tpu.memory_space<hbm>>
      tpu.wait_dma2 semaphore(%run_scoped3A : memref<!tpu.dma_semaphore, #tpu.memory_space<semaphore_mem>>) src(%dma_wait3A_88 : memref<640xf32, #tpu.memory_space<hbm>>) dst(%dma_wait3A : memref<640xf32, #tpu.memory_space<vmem_shared>>)
      tpu.yield
    }) : () -> ()
    %broadcast_in_dim3A = arith.constant 1.000000e+00 : f32
    %broadcast_in_dim3A_9 = vector.broadcast %broadcast_in_dim3A : f32 to vector<16xf32>
    %swap3A = arith.constant 0 : index
    %swap3A_10 = tpu.vector_load %arg14[%swap3A] {strides = array<i32>} : memref<128xf32, #tpu.memory_space<vmem>>, vector<16xf32>,
    %swap3A_11 = vector.shape_cast %swap3A_10 : vector<16xf32> to vector<16xf32>
    %swap3A_12 = vector.shape_cast %broadcast_in_dim3A_9 : vector<16xf32> to vector<16xf32>
    tpu.vector_store %arg14[%swap3A], %swap3A_12 {strides = array<i32>} : memref<128xf32, #tpu.memory_space<vmem>>, vector<16xf32>,
    %broadcast_in_dim3A_13 = arith.constant 1.000000e+00 : f32
    %broadcast_in_dim3A_14 = vector.broadcast %broadcast_in_dim3A_13 : f32 to vector<16xf32>
    %swap3A_15 = arith.constant 16 : index
    %swap3A_16 = tpu.vector_load %arg14[%swap3A_15] {strides = array<i32>} : memref<128xf32, #tpu.memory_space<vmem>>, vector<16xf32>,
    %swap3A_17 = vector.shape_cast %swap3A_16 : vector<16xf32> to vector<16xf32>
    %swap3A_18 = vector.shape_cast %broadcast_in_dim3A_14 : vector<16xf32> to vector<16xf32>
    tpu.vector_store %arg14[%swap3A_15], %swap3A_18 {strides = array<i32>} : memref<128xf32, #tpu.memory_space<vmem>>, vector<16xf32>,
    %broadcast_in_dim3A_19 = arith.constant 1.000000e+00 : f32
    %broadcast_in_dim3A_20 = vector.broadcast %broadcast_in_dim3A_19 : f32 to vector<16xf32>
    %swap3A_21 = arith.constant 32 : index
    %swap3A_22 = tpu.vector_load %arg14[%swap3A_21] {strides = array<i32>} : memref<128xf32, #tpu.memory_space<vmem>>, vector<16xf32>,
    %swap3A_23 = vector.shape_cast %swap3A_22 : vector<16xf32> to vector<16xf32>
    %swap3A_24 = vector.shape_cast %broadcast_in_dim3A_20 : vector<16xf32> to vector<16xf32>
    tpu.vector_store %arg14[%swap3A_21], %swap3A_24 {strides = array<i32>} : memref<128xf32, #tpu.memory_space<vmem>>, vector<16xf32>,
    %broadcast_in_dim3A_25 = arith.constant 1.000000e+00 : f32
    %broadcast_in_dim3A_26 = vector.broadcast %broadcast_in_dim3A_25 : f32 to vector<16xf32>
    %swap3A_27 = arith.constant 48 : index
    %swap3A_28 = tpu.vector_load %arg14[%swap3A_27] {strides = array<i32>} : memref<128xf32, #tpu.memory_space<vmem>>, vector<16xf32>,
    %swap3A_29 = vector.shape_cast %swap3A_28 : vector<16xf32> to vector<16xf32>
    %swap3A_30 = vector.shape_cast %broadcast_in_dim3A_26 : vector<16xf32> to vector<16xf32>
    tpu.vector_store %arg14[%swap3A_27], %swap3A_30 {strides = array<i32>} : memref<128xf32, #tpu.memory_space<vmem>>, vector<16xf32>,
    %broadcast_in_dim3A_31 = arith.constant 1.000000e+00 : f32
    %broadcast_in_dim3A_32 = vector.broadcast %broadcast_in_dim3A_31 : f32 to vector<16xf32>
    %swap3A_33 = arith.constant 64 : index
    %swap3A_34 = tpu.vector_load %arg14[%swap3A_33] {strides = array<i32>} : memref<128xf32, #tpu.memory_space<vmem>>, vector<16xf32>,
    %swap3A_35 = vector.shape_cast %swap3A_34 : vector<16xf32> to vector<16xf32>
    %swap3A_36 = vector.shape_cast %broadcast_in_dim3A_32 : vector<16xf32> to vector<16xf32>
    tpu.vector_store %arg14[%swap3A_33], %swap3A_36 {strides = array<i32>} : memref<128xf32, #tpu.memory_space<vmem>>, vector<16xf32>,
    %broadcast_in_dim3A_37 = arith.constant 1.000000e+00 : f32
    %broadcast_in_dim3A_38 = vector.broadcast %broadcast_in_dim3A_37 : f32 to vector<16xf32>
    %swap3A_39 = arith.constant 80 : index
    %swap3A_40 = tpu.vector_load %arg14[%swap3A_39] {strides = array<i32>} : memref<128xf32, #tpu.memory_space<vmem>>, vector<16xf32>,
    %swap3A_41 = vector.shape_cast %swap3A_40 : vector<16xf32> to vector<16xf32>
    %swap3A_42 = vector.shape_cast %broadcast_in_dim3A_38 : vector<16xf32> to vector<16xf32>
    tpu.vector_store %arg14[%swap3A_39], %swap3A_42 {strides = array<i32>} : memref<128xf32, #tpu.memory_space<vmem>>, vector<16xf32>,
    %broadcast_in_dim3A_43 = arith.constant 1.000000e+00 : f32
    %broadcast_in_dim3A_44 = vector.broadcast %broadcast_in_dim3A_43 : f32 to vector<16xf32>
    %swap3A_45 = arith.constant 96 : index
    %swap3A_46 = tpu.vector_load %arg14[%swap3A_45] {strides = array<i32>} : memref<128xf32, #tpu.memory_space<vmem>>, vector<16xf32>,
    %swap3A_47 = vector.shape_cast %swap3A_46 : vector<16xf32> to vector<16xf32>
    %swap3A_48 = vector.shape_cast %broadcast_in_dim3A_44 : vector<16xf32> to vector<16xf32>
    tpu.vector_store %arg14[%swap3A_45], %swap3A_48 {strides = array<i32>} : memref<128xf32, #tpu.memory_space<vmem>>, vector<16xf32>,
    %broadcast_in_dim3A_49 = arith.constant 1.000000e+00 : f32
    %broadcast_in_dim3A_50 = vector.broadcast %broadcast_in_dim3A_49 : f32 to vector<16xf32>
    %swap3A_51 = arith.constant 112 : index
    %swap3A_52 = tpu.vector_load %arg14[%swap3A_51] {strides = array<i32>} : memref<128xf32, #tpu.memory_space<vmem>>, vector<16xf32>,
    %swap3A_53 = vector.shape_cast %swap3A_52 : vector<16xf32> to vector<16xf32>
    %swap3A_54 = vector.shape_cast %broadcast_in_dim3A_50 : vector<16xf32> to vector<16xf32>
    tpu.vector_store %arg14[%swap3A_51], %swap3A_54 {strides = array<i32>} : memref<128xf32, #tpu.memory_space<vmem>>, vector<16xf32>,
    %barrier3A = arith.constant 0 : index
    tpu.barrier barrier_id(%barrier3A)
    %lt3A_55 = arith.constant 2 : i32
    %lt3A_56 = arith.cmpi slt, %arg1, %lt3A_55 : i32
    %jit3A = arith.constant 79 : i32
    %jit3A_57 = arith.constant 78 : i32
    %select_n3A = arith.select %lt3A_56, %jit3A, %jit3A_57 : i32
    %mul3A_58 = arith.constant 1250 : i32
    %mul3A_59 = arith.muli %arg0, %mul3A_58 : i32
    %mul3A_60 = arith.constant 78 : i32
    %mul3A_61 = arith.muli %arg1, %mul3A_60 : i32
    %add3A = arith.addi %mul3A_59, %mul3A_61 : i32
    %min3A = arith.constant 2 : i32
    %min3A_62 = arith.minsi %arg1, %min3A : i32
    %add3A_63 = arith.addi %add3A, %min3A_62 : i32
    %while3A = arith.constant 0 : i32
    %while3A_64 = arith.constant 0 : i32
    %while3A_65 = arith.subi %select_n3A, %while3A_64 : i32
    %while3A_66 = arith.addi %while3A_64, %while3A_65 : i32
    %while3A_67 = arith.constant 1 : i32
    %while3A_68 = arith.divsi %while3A_65, %while3A_67 : i32
    %while3A_69 = arith.muli %while3A_68, %while3A_67 : i32
    %while3A_70 = arith.addi %while3A_64, %while3A_69 : i32
    %while3A_71 = arith.constant 1 : i32
    scf.for %while3A_87 = %while3A_64 to %while3A_70 step %while3A_71  : i32 {
      %add3A_88 = arith.addi %add3A_63, %while3A_87 : i32
      %mul3A_89 = arith.constant 128 : i32
      %mul3A_90 = arith.muli %add3A_88, %mul3A_89 : i32
      "tpu.region"() ({
        %run_scoped3A = tpu.sem_alloc : memref<!tpu.dma_semaphore, #tpu.memory_space<semaphore_mem>>
        %dma_start3A_100 = tpu.memref_slice %arg4[%mul3A_90] : memref<320000xi32, #tpu.memory_space<hbm>> -> memref<128xi32, #tpu.memory_space<hbm>>
        %dma_start3A_101 = tpu.memref_slice %arg4[%mul3A_90] : memref<320000xi32, #tpu.memory_space<hbm>> -> memref<128xi32, #tpu.memory_space<hbm>>
        tpu.enqueue_dma source(%dma_start3A_101 : memref<128xi32, #tpu.memory_space<hbm>>) target(%arg12 : memref<128xi32, #tpu.memory_space<vmem>>) target_semaphore(%run_scoped3A : memref<!tpu.dma_semaphore, #tpu.memory_space<semaphore_mem>>)
        %dma_wait3A_102 = tpu.memref_slice %arg4[%mul3A_90] : memref<320000xi32, #tpu.memory_space<hbm>> -> memref<128xi32, #tpu.memory_space<hbm>>
        %dma_wait3A_103 = tpu.memref_slice %arg4[%mul3A_90] : memref<320000xi32, #tpu.memory_space<hbm>> -> memref<128xi32, #tpu.memory_space<hbm>>
        tpu.wait_dma2 semaphore(%run_scoped3A : memref<!tpu.dma_semaphore, #tpu.memory_space<semaphore_mem>>) src(%dma_wait3A_103 : memref<128xi32, #tpu.memory_space<hbm>>) dst(%arg12 : memref<128xi32, #tpu.memory_space<vmem>>)
        tpu.yield
      }) : () -> ()
      "tpu.region"() ({
        %run_scoped3A = tpu.sem_alloc : memref<!tpu.dma_semaphore, #tpu.memory_space<semaphore_mem>>
        %dma_start3A_100 = tpu.memref_slice %arg5[%mul3A_90] : memref<320000xi32, #tpu.memory_space<hbm>> -> memref<128xi32, #tpu.memory_space<hbm>>
        %dma_start3A_101 = tpu.memref_slice %arg5[%mul3A_90] : memref<320000xi32, #tpu.memory_space<hbm>> -> memref<128xi32, #tpu.memory_space<hbm>>
        tpu.enqueue_dma source(%dma_start3A_101 : memref<128xi32, #tpu.memory_space<hbm>>) target(%arg13 : memref<128xi32, #tpu.memory_space<vmem>>) target_semaphore(%run_scoped3A : memref<!tpu.dma_semaphore, #tpu.memory_space<semaphore_mem>>)
        %dma_wait3A_102 = tpu.memref_slice %arg5[%mul3A_90] : memref<320000xi32, #tpu.memory_space<hbm>> -> memref<128xi32, #tpu.memory_space<hbm>>
        %dma_wait3A_103 = tpu.memref_slice %arg5[%mul3A_90] : memref<320000xi32, #tpu.memory_space<hbm>> -> memref<128xi32, #tpu.memory_space<hbm>>
        tpu.wait_dma2 semaphore(%run_scoped3A : memref<!tpu.dma_semaphore, #tpu.memory_space<semaphore_mem>>) src(%dma_wait3A_103 : memref<128xi32, #tpu.memory_space<hbm>>) dst(%arg13 : memref<128xi32, #tpu.memory_space<vmem>>)
        tpu.yield
      }) : () -> ()
      "tpu.region"() ({
        %run_scoped3A = tpu.sem_alloc : memref<!tpu.dma_semaphore, #tpu.memory_space<semaphore_mem>>
        %dma_start3A_100 = arith.constant 0 : i32
        %dma_start3A_101 = tpu.memref_slice %arg3[%mul3A_90, %dma_start3A_100] : memref<320000x128xf32, #tpu.memory_space<hbm>> -> memref<128x128xf32, #tpu.memory_space<hbm>>
        %dma_start3A_102 = arith.constant 0 : i32
        %dma_start3A_103 = tpu.memref_slice %arg3[%mul3A_90, %dma_start3A_102] : memref<320000x128xf32, #tpu.memory_space<hbm>> -> memref<128x128xf32, #tpu.memory_space<hbm>>
        tpu.enqueue_dma source(%dma_start3A_103 : memref<128x128xf32, #tpu.memory_space<hbm>>) target(%arg16 : memref<128x128xf32, #tpu.memory_space<vmem>>) target_semaphore(%run_scoped3A : memref<!tpu.dma_semaphore, #tpu.memory_space<semaphore_mem>>)
        %dma_wait3A_104 = arith.constant 0 : i32
        %dma_wait3A_105 = tpu.memref_slice %arg3[%mul3A_90, %dma_wait3A_104] : memref<320000x128xf32, #tpu.memory_space<hbm>> -> memref<128x128xf32, #tpu.memory_space<hbm>>
        %dma_wait3A_106 = arith.constant 0 : i32
        %dma_wait3A_107 = tpu.memref_slice %arg3[%mul3A_90, %dma_wait3A_106] : memref<320000x128xf32, #tpu.memory_space<hbm>> -> memref<128x128xf32, #tpu.memory_space<hbm>>
        tpu.wait_dma2 semaphore(%run_scoped3A : memref<!tpu.dma_semaphore, #tpu.memory_space<semaphore_mem>>) src(%dma_wait3A_107 : memref<128x128xf32, #tpu.memory_space<hbm>>) dst(%arg16 : memref<128x128xf32, #tpu.memory_space<vmem>>)
        tpu.yield
      }) : () -> ()
      %dma_start3A = arith.constant 0 : i32
      %dma_start3A_91 = arith.constant 0 : i32
      %dma_start3A_92 = tpu.memref_slice %arg2[%dma_start3A, %dma_start3A_91] : memref<10000x128xf32, #tpu.memory_space<hbm>> -> memref<10000x128xf32, #tpu.memory_space<hbm>>
      tpu.enqueue_indirect_dma source(%dma_start3A_92 : memref<10000x128xf32, #tpu.memory_space<hbm>>) target(%arg15 : memref<128x128xf32, #tpu.memory_space<vmem>>) offsets(%arg12 : memref<128xi32, #tpu.memory_space<vmem>>) semaphore(%arg18 : memref<!tpu.dma_semaphore, #tpu.memory_space<semaphore_mem>>)
      %dma_wait3A = arith.constant 0 : i32
      %dma_wait3A_93 = arith.constant 0 : i32
      %dma_wait3A_94 = tpu.memref_slice %arg2[%dma_wait3A, %dma_wait3A_93] : memref<10000x128xf32, #tpu.memory_space<hbm>> -> memref<10000x128xf32, #tpu.memory_space<hbm>>
      tpu.wait_indirect_dma semaphore(%arg18 : memref<!tpu.dma_semaphore, #tpu.memory_space<semaphore_mem>>) src(%dma_wait3A_94 : memref<10000x128xf32, #tpu.memory_space<hbm>>) dst(%arg15 : memref<128x128xf32, #tpu.memory_space<vmem>>)
      %scan3A = arith.constant 0 : i32
      %scan3A_95 = arith.constant 0 : i32
      %scan3A_96 = arith.constant 128 : i32
      %scan3A_97 = arith.addi %scan3A_95, %scan3A_96 : i32
      %scan3A_98 = arith.constant 1 : i32
      scf.for %scan3A_100 = %scan3A_95 to %scan3A_97 step %scan3A_98  : i32 {
        %get3A = arith.index_cast %scan3A_100 : i32 to index
        %get3A_101 = arith.constant 0 : index
        %get3A_102 = tpu.vector_load %arg15[%get3A, %get3A_101] {strides = array<i32>} : memref<128x128xf32, #tpu.memory_space<vmem>>, vector<1x16xf32>,
        %get3A_103 = vector.shape_cast %get3A_102 : vector<1x16xf32> to vector<16xf32>
        %get3A_104 = arith.index_cast %scan3A_100 : i32 to index
        %get3A_105 = arith.constant 0 : index
        %get3A_106 = tpu.vector_load %arg16[%get3A_104, %get3A_105] {strides = array<i32>} : memref<128x128xf32, #tpu.memory_space<vmem>>, vector<1x16xf32>,
        %get3A_107 = vector.shape_cast %get3A_106 : vector<1x16xf32> to vector<16xf32>
        %mul3A_108 = arith.mulf %get3A_103, %get3A_107 : vector<16xf32>
        %swap3A_109 = arith.index_cast %scan3A_100 : i32 to index
        %swap3A_110 = arith.constant 0 : index
        %swap3A_111 = tpu.vector_load %arg17[%swap3A_109, %swap3A_110] {strides = array<i32>} : memref<128x128xf32, #tpu.memory_space<vmem>>, vector<1x16xf32>,
        %swap3A_112 = vector.shape_cast %swap3A_111 : vector<1x16xf32> to vector<16xf32>
        %swap3A_113 = vector.shape_cast %mul3A_108 : vector<16xf32> to vector<1x16xf32>
        tpu.vector_store %arg17[%swap3A_109, %swap3A_110], %swap3A_113 {strides = array<i32>} : memref<128x128xf32, #tpu.memory_space<vmem>>, vector<1x16xf32>,
        %get3A_114 = arith.index_cast %scan3A_100 : i32 to index
        %get3A_115 = arith.constant 16 : index
        %get3A_116 = tpu.vector_load %arg15[%get3A_114, %get3A_115] {strides = array<i32>} : memref<128x128xf32, #tpu.memory_space<vmem>>, vector<1x16xf32>,
        %get3A_117 = vector.shape_cast %get3A_116 : vector<1x16xf32> to vector<16xf32>
        %get3A_118 = arith.index_cast %scan3A_100 : i32 to index
        %get3A_119 = arith.constant 16 : index
        %get3A_120 = tpu.vector_load %arg16[%get3A_118, %get3A_119] {strides = array<i32>} : memref<128x128xf32, #tpu.memory_space<vmem>>, vector<1x16xf32>,
        %get3A_121 = vector.shape_cast %get3A_120 : vector<1x16xf32> to vector<16xf32>
        %mul3A_122 = arith.mulf %get3A_117, %get3A_121 : vector<16xf32>
        %swap3A_123 = arith.index_cast %scan3A_100 : i32 to index
        %swap3A_124 = arith.constant 16 : index
        %swap3A_125 = tpu.vector_load %arg17[%swap3A_123, %swap3A_124] {strides = array<i32>} : memref<128x128xf32, #tpu.memory_space<vmem>>, vector<1x16xf32>,
        %swap3A_126 = vector.shape_cast %swap3A_125 : vector<1x16xf32> to vector<16xf32>
        %swap3A_127 = vector.shape_cast %mul3A_122 : vector<16xf32> to vector<1x16xf32>
        tpu.vector_store %arg17[%swap3A_123, %swap3A_124], %swap3A_127 {strides = array<i32>} : memref<128x128xf32, #tpu.memory_space<vmem>>, vector<1x16xf32>,
        %get3A_128 = arith.index_cast %scan3A_100 : i32 to index
        %get3A_129 = arith.constant 32 : index
        %get3A_130 = tpu.vector_load %arg15[%get3A_128, %get3A_129] {strides = array<i32>} : memref<128x128xf32, #tpu.memory_space<vmem>>, vector<1x16xf32>,
        %get3A_131 = vector.shape_cast %get3A_130 : vector<1x16xf32> to vector<16xf32>
        %get3A_132 = arith.index_cast %scan3A_100 : i32 to index
        %get3A_133 = arith.constant 32 : index
        %get3A_134 = tpu.vector_load %arg16[%get3A_132, %get3A_133] {strides = array<i32>} : memref<128x128xf32, #tpu.memory_space<vmem>>, vector<1x16xf32>,
        %get3A_135 = vector.shape_cast %get3A_134 : vector<1x16xf32> to vector<16xf32>
        %mul3A_136 = arith.mulf %get3A_131, %get3A_135 : vector<16xf32>
        %swap3A_137 = arith.index_cast %scan3A_100 : i32 to index
        %swap3A_138 = arith.constant 32 : index
        %swap3A_139 = tpu.vector_load %arg17[%swap3A_137, %swap3A_138] {strides = array<i32>} : memref<128x128xf32, #tpu.memory_space<vmem>>, vector<1x16xf32>,
        %swap3A_140 = vector.shape_cast %swap3A_139 : vector<1x16xf32> to vector<16xf32>
        %swap3A_141 = vector.shape_cast %mul3A_136 : vector<16xf32> to vector<1x16xf32>
        tpu.vector_store %arg17[%swap3A_137, %swap3A_138], %swap3A_141 {strides = array<i32>} : memref<128x128xf32, #tpu.memory_space<vmem>>, vector<1x16xf32>,
        %get3A_142 = arith.index_cast %scan3A_100 : i32 to index
        %get3A_143 = arith.constant 48 : index
        %get3A_144 = tpu.vector_load %arg15[%get3A_142, %get3A_143] {strides = array<i32>} : memref<128x128xf32, #tpu.memory_space<vmem>>, vector<1x16xf32>,
        %get3A_145 = vector.shape_cast %get3A_144 : vector<1x16xf32> to vector<16xf32>
        %get3A_146 = arith.index_cast %scan3A_100 : i32 to index
        %get3A_147 = arith.constant 48 : index
        %get3A_148 = tpu.vector_load %arg16[%get3A_146, %get3A_147] {strides = array<i32>} : memref<128x128xf32, #tpu.memory_space<vmem>>, vector<1x16xf32>,
        %get3A_149 = vector.shape_cast %get3A_148 : vector<1x16xf32> to vector<16xf32>
        %mul3A_150 = arith.mulf %get3A_145, %get3A_149 : vector<16xf32>
        %swap3A_151 = arith.index_cast %scan3A_100 : i32 to index
        %swap3A_152 = arith.constant 48 : index
        %swap3A_153 = tpu.vector_load %arg17[%swap3A_151, %swap3A_152] {strides = array<i32>} : memref<128x128xf32, #tpu.memory_space<vmem>>, vector<1x16xf32>,
        %swap3A_154 = vector.shape_cast %swap3A_153 : vector<1x16xf32> to vector<16xf32>
        %swap3A_155 = vector.shape_cast %mul3A_150 : vector<16xf32> to vector<1x16xf32>
        tpu.vector_store %arg17[%swap3A_151, %swap3A_152], %swap3A_155 {strides = array<i32>} : memref<128x128xf32, #tpu.memory_space<vmem>>, vector<1x16xf32>,
        %get3A_156 = arith.index_cast %scan3A_100 : i32 to index
        %get3A_157 = arith.constant 64 : index
        %get3A_158 = tpu.vector_load %arg15[%get3A_156, %get3A_157] {strides = array<i32>} : memref<128x128xf32, #tpu.memory_space<vmem>>, vector<1x16xf32>,
        %get3A_159 = vector.shape_cast %get3A_158 : vector<1x16xf32> to vector<16xf32>
        %get3A_160 = arith.index_cast %scan3A_100 : i32 to index
        %get3A_161 = arith.constant 64 : index
        %get3A_162 = tpu.vector_load %arg16[%get3A_160, %get3A_161] {strides = array<i32>} : memref<128x128xf32, #tpu.memory_space<vmem>>, vector<1x16xf32>,
        %get3A_163 = vector.shape_cast %get3A_162 : vector<1x16xf32> to vector<16xf32>
        %mul3A_164 = arith.mulf %get3A_159, %get3A_163 : vector<16xf32>
        %swap3A_165 = arith.index_cast %scan3A_100 : i32 to index
        %swap3A_166 = arith.constant 64 : index
        %swap3A_167 = tpu.vector_load %arg17[%swap3A_165, %swap3A_166] {strides = array<i32>} : memref<128x128xf32, #tpu.memory_space<vmem>>, vector<1x16xf32>,
        %swap3A_168 = vector.shape_cast %swap3A_167 : vector<1x16xf32> to vector<16xf32>
        %swap3A_169 = vector.shape_cast %mul3A_164 : vector<16xf32> to vector<1x16xf32>
        tpu.vector_store %arg17[%swap3A_165, %swap3A_166], %swap3A_169 {strides = array<i32>} : memref<128x128xf32, #tpu.memory_space<vmem>>, vector<1x16xf32>,
        %get3A_170 = arith.index_cast %scan3A_100 : i32 to index
        %get3A_171 = arith.constant 80 : index
        %get3A_172 = tpu.vector_load %arg15[%get3A_170, %get3A_171] {strides = array<i32>} : memref<128x128xf32, #tpu.memory_space<vmem>>, vector<1x16xf32>,
        %get3A_173 = vector.shape_cast %get3A_172 : vector<1x16xf32> to vector<16xf32>
        %get3A_174 = arith.index_cast %scan3A_100 : i32 to index
        %get3A_175 = arith.constant 80 : index
        %get3A_176 = tpu.vector_load %arg16[%get3A_174, %get3A_175] {strides = array<i32>} : memref<128x128xf32, #tpu.memory_space<vmem>>, vector<1x16xf32>,
        %get3A_177 = vector.shape_cast %get3A_176 : vector<1x16xf32> to vector<16xf32>
        %mul3A_178 = arith.mulf %get3A_173, %get3A_177 : vector<16xf32>
        %swap3A_179 = arith.index_cast %scan3A_100 : i32 to index
        %swap3A_180 = arith.constant 80 : index
        %swap3A_181 = tpu.vector_load %arg17[%swap3A_179, %swap3A_180] {strides = array<i32>} : memref<128x128xf32, #tpu.memory_space<vmem>>, vector<1x16xf32>,
        %swap3A_182 = vector.shape_cast %swap3A_181 : vector<1x16xf32> to vector<16xf32>
        %swap3A_183 = vector.shape_cast %mul3A_178 : vector<16xf32> to vector<1x16xf32>
        tpu.vector_store %arg17[%swap3A_179, %swap3A_180], %swap3A_183 {strides = array<i32>} : memref<128x128xf32, #tpu.memory_space<vmem>>, vector<1x16xf32>,
        %get3A_184 = arith.index_cast %scan3A_100 : i32 to index
        %get3A_185 = arith.constant 96 : index
        %get3A_186 = tpu.vector_load %arg15[%get3A_184, %get3A_185] {strides = array<i32>} : memref<128x128xf32, #tpu.memory_space<vmem>>, vector<1x16xf32>,
        %get3A_187 = vector.shape_cast %get3A_186 : vector<1x16xf32> to vector<16xf32>
        %get3A_188 = arith.index_cast %scan3A_100 : i32 to index
        %get3A_189 = arith.constant 96 : index
        %get3A_190 = tpu.vector_load %arg16[%get3A_188, %get3A_189] {strides = array<i32>} : memref<128x128xf32, #tpu.memory_space<vmem>>, vector<1x16xf32>,
        %get3A_191 = vector.shape_cast %get3A_190 : vector<1x16xf32> to vector<16xf32>
        %mul3A_192 = arith.mulf %get3A_187, %get3A_191 : vector<16xf32>
        %swap3A_193 = arith.index_cast %scan3A_100 : i32 to index
        %swap3A_194 = arith.constant 96 : index
        %swap3A_195 = tpu.vector_load %arg17[%swap3A_193, %swap3A_194] {strides = array<i32>} : memref<128x128xf32, #tpu.memory_space<vmem>>, vector<1x16xf32>,
        %swap3A_196 = vector.shape_cast %swap3A_195 : vector<1x16xf32> to vector<16xf32>
        %swap3A_197 = vector.shape_cast %mul3A_192 : vector<16xf32> to vector<1x16xf32>
        tpu.vector_store %arg17[%swap3A_193, %swap3A_194], %swap3A_197 {strides = array<i32>} : memref<128x128xf32, #tpu.memory_space<vmem>>, vector<1x16xf32>,
        %get3A_198 = arith.index_cast %scan3A_100 : i32 to index
        %get3A_199 = arith.constant 112 : index
        %get3A_200 = tpu.vector_load %arg15[%get3A_198, %get3A_199] {strides = array<i32>} : memref<128x128xf32, #tpu.memory_space<vmem>>, vector<1x16xf32>,
        %get3A_201 = vector.shape_cast %get3A_200 : vector<1x16xf32> to vector<16xf32>
        %get3A_202 = arith.index_cast %scan3A_100 : i32 to index
        %get3A_203 = arith.constant 112 : index
        %get3A_204 = tpu.vector_load %arg16[%get3A_202, %get3A_203] {strides = array<i32>} : memref<128x128xf32, #tpu.memory_space<vmem>>, vector<1x16xf32>,
        %get3A_205 = vector.shape_cast %get3A_204 : vector<1x16xf32> to vector<16xf32>
        %mul3A_206 = arith.mulf %get3A_201, %get3A_205 : vector<16xf32>
        %swap3A_207 = arith.index_cast %scan3A_100 : i32 to index
        %swap3A_208 = arith.constant 112 : index
        %swap3A_209 = tpu.vector_load %arg17[%swap3A_207, %swap3A_208] {strides = array<i32>} : memref<128x128xf32, #tpu.memory_space<vmem>>, vector<1x16xf32>,
        %swap3A_210 = vector.shape_cast %swap3A_209 : vector<1x16xf32> to vector<16xf32>
        %swap3A_211 = vector.shape_cast %mul3A_206 : vector<16xf32> to vector<1x16xf32>
        tpu.vector_store %arg17[%swap3A_207, %swap3A_208], %swap3A_211 {strides = array<i32>} : memref<128x128xf32, #tpu.memory_space<vmem>>, vector<1x16xf32>,
      }
      %scan3A_99 = arith.constant 128 : i32
      "tpu.region"() ({
        %run_scoped3A = tpu.sem_alloc : memref<!tpu.dma_semaphore, #tpu.memory_space<semaphore_mem>>
        %dma_start3A_100 = arith.constant 0 : i32
        %dma_start3A_101 = arith.constant 0 : i32
        %dma_start3A_102 = tpu.memref_slice %arg10[%dma_start3A_100, %dma_start3A_101] : memref<10000x128xf32, #tpu.memory_space<vmem_shared>> -> memref<10000x128xf32, #tpu.memory_space<vmem_shared>>
        tpu.enqueue_indirect_dma source(%arg17 : memref<128x128xf32, #tpu.memory_space<vmem>>) target(%dma_start3A_102 : memref<10000x128xf32, #tpu.memory_space<vmem_shared>>) offsets(%arg13 : memref<128xi32, #tpu.memory_space<vmem>>) semaphore(%run_scoped3A : memref<!tpu.dma_semaphore, #tpu.memory_space<semaphore_mem>>) {add = true}
        %dma_wait3A_103 = arith.constant 0 : i32
        %dma_wait3A_104 = arith.constant 0 : i32
        %dma_wait3A_105 = tpu.memref_slice %arg10[%dma_wait3A_103, %dma_wait3A_104] : memref<10000x128xf32, #tpu.memory_space<vmem_shared>> -> memref<10000x128xf32, #tpu.memory_space<vmem_shared>>
        tpu.wait_indirect_dma semaphore(%run_scoped3A : memref<!tpu.dma_semaphore, #tpu.memory_space<semaphore_mem>>) src(%arg17 : memref<128x128xf32, #tpu.memory_space<vmem>>) dst(%dma_wait3A_105 : memref<10000x128xf32, #tpu.memory_space<vmem_shared>>)
        tpu.yield
      }) : () -> ()
      "tpu.region"() ({
        %run_scoped3A = tpu.sem_alloc : memref<!tpu.dma_semaphore, #tpu.memory_space<semaphore_mem>>
        %dma_start3A_100 = arith.constant 0 : i32
        %dma_start3A_101 = tpu.memref_slice %arg11[%dma_start3A_100] : memref<10240xf32, #tpu.memory_space<vmem_shared>> -> memref<10240xf32, #tpu.memory_space<vmem_shared>>
        tpu.enqueue_indirect_dma source(%arg14 : memref<128xf32, #tpu.memory_space<vmem>>) target(%dma_start3A_101 : memref<10240xf32, #tpu.memory_space<vmem_shared>>) offsets(%arg13 : memref<128xi32, #tpu.memory_space<vmem>>) semaphore(%run_scoped3A : memref<!tpu.dma_semaphore, #tpu.memory_space<semaphore_mem>>) {add = true}
        %dma_wait3A_102 = arith.constant 0 : i32
        %dma_wait3A_103 = tpu.memref_slice %arg11[%dma_wait3A_102] : memref<10240xf32, #tpu.memory_space<vmem_shared>> -> memref<10240xf32, #tpu.memory_space<vmem_shared>>
        tpu.wait_indirect_dma semaphore(%run_scoped3A : memref<!tpu.dma_semaphore, #tpu.memory_space<semaphore_mem>>) src(%arg14 : memref<128xf32, #tpu.memory_space<vmem>>) dst(%dma_wait3A_103 : memref<10240xf32, #tpu.memory_space<vmem_shared>>)
        tpu.yield
      }) : () -> ()
    }
    %while3A_72 = arith.constant 1 : i32
    scf.for %while3A_87 = %while3A_70 to %while3A_66 step %while3A_72  : i32 {
      %add3A_88 = arith.addi %add3A_63, %while3A_87 : i32
      %mul3A_89 = arith.constant 128 : i32
      %mul3A_90 = arith.muli %add3A_88, %mul3A_89 : i32
      "tpu.region"() ({
        %run_scoped3A = tpu.sem_alloc : memref<!tpu.dma_semaphore, #tpu.memory_space<semaphore_mem>>
        %dma_start3A_100 = tpu.memref_slice %arg4[%mul3A_90] : memref<320000xi32, #tpu.memory_space<hbm>> -> memref<128xi32, #tpu.memory_space<hbm>>
        %dma_start3A_101 = tpu.memref_slice %arg4[%mul3A_90] : memref<320000xi32, #tpu.memory_space<hbm>> -> memref<128xi32, #tpu.memory_space<hbm>>
        tpu.enqueue_dma source(%dma_start3A_101 : memref<128xi32, #tpu.memory_space<hbm>>) target(%arg12 : memref<128xi32, #tpu.memory_space<vmem>>) target_semaphore(%run_scoped3A : memref<!tpu.dma_semaphore, #tpu.memory_space<semaphore_mem>>)
        %dma_wait3A_102 = tpu.memref_slice %arg4[%mul3A_90] : memref<320000xi32, #tpu.memory_space<hbm>> -> memref<128xi32, #tpu.memory_space<hbm>>
        %dma_wait3A_103 = tpu.memref_slice %arg4[%mul3A_90] : memref<320000xi32, #tpu.memory_space<hbm>> -> memref<128xi32, #tpu.memory_space<hbm>>
        tpu.wait_dma2 semaphore(%run_scoped3A : memref<!tpu.dma_semaphore, #tpu.memory_space<semaphore_mem>>) src(%dma_wait3A_103 : memref<128xi32, #tpu.memory_space<hbm>>) dst(%arg12 : memref<128xi32, #tpu.memory_space<vmem>>)
        tpu.yield
      }) : () -> ()
      "tpu.region"() ({
        %run_scoped3A = tpu.sem_alloc : memref<!tpu.dma_semaphore, #tpu.memory_space<semaphore_mem>>
        %dma_start3A_100 = tpu.memref_slice %arg5[%mul3A_90] : memref<320000xi32, #tpu.memory_space<hbm>> -> memref<128xi32, #tpu.memory_space<hbm>>
        %dma_start3A_101 = tpu.memref_slice %arg5[%mul3A_90] : memref<320000xi32, #tpu.memory_space<hbm>> -> memref<128xi32, #tpu.memory_space<hbm>>
        tpu.enqueue_dma source(%dma_start3A_101 : memref<128xi32, #tpu.memory_space<hbm>>) target(%arg13 : memref<128xi32, #tpu.memory_space<vmem>>) target_semaphore(%run_scoped3A : memref<!tpu.dma_semaphore, #tpu.memory_space<semaphore_mem>>)
        %dma_wait3A_102 = tpu.memref_slice %arg5[%mul3A_90] : memref<320000xi32, #tpu.memory_space<hbm>> -> memref<128xi32, #tpu.memory_space<hbm>>
        %dma_wait3A_103 = tpu.memref_slice %arg5[%mul3A_90] : memref<320000xi32, #tpu.memory_space<hbm>> -> memref<128xi32, #tpu.memory_space<hbm>>
        tpu.wait_dma2 semaphore(%run_scoped3A : memref<!tpu.dma_semaphore, #tpu.memory_space<semaphore_mem>>) src(%dma_wait3A_103 : memref<128xi32, #tpu.memory_space<hbm>>) dst(%arg13 : memref<128xi32, #tpu.memory_space<vmem>>)
        tpu.yield
      }) : () -> ()
      "tpu.region"() ({
        %run_scoped3A = tpu.sem_alloc : memref<!tpu.dma_semaphore, #tpu.memory_space<semaphore_mem>>
        %dma_start3A_100 = arith.constant 0 : i32
        %dma_start3A_101 = tpu.memref_slice %arg3[%mul3A_90, %dma_start3A_100] : memref<320000x128xf32, #tpu.memory_space<hbm>> -> memref<128x128xf32, #tpu.memory_space<hbm>>
        %dma_start3A_102 = arith.constant 0 : i32
        %dma_start3A_103 = tpu.memref_slice %arg3[%mul3A_90, %dma_start3A_102] : memref<320000x128xf32, #tpu.memory_space<hbm>> -> memref<128x128xf32, #tpu.memory_space<hbm>>
        tpu.enqueue_dma source(%dma_start3A_103 : memref<128x128xf32, #tpu.memory_space<hbm>>) target(%arg16 : memref<128x128xf32, #tpu.memory_space<vmem>>) target_semaphore(%run_scoped3A : memref<!tpu.dma_semaphore, #tpu.memory_space<semaphore_mem>>)
        %dma_wait3A_104 = arith.constant 0 : i32
        %dma_wait3A_105 = tpu.memref_slice %arg3[%mul3A_90, %dma_wait3A_104] : memref<320000x128xf32, #tpu.memory_space<hbm>> -> memref<128x128xf32, #tpu.memory_space<hbm>>
        %dma_wait3A_106 = arith.constant 0 : i32
        %dma_wait3A_107 = tpu.memref_slice %arg3[%mul3A_90, %dma_wait3A_106] : memref<320000x128xf32, #tpu.memory_space<hbm>> -> memref<128x128xf32, #tpu.memory_space<hbm>>
        tpu.wait_dma2 semaphore(%run_scoped3A : memref<!tpu.dma_semaphore, #tpu.memory_space<semaphore_mem>>) src(%dma_wait3A_107 : memref<128x128xf32, #tpu.memory_space<hbm>>) dst(%arg16 : memref<128x128xf32, #tpu.memory_space<vmem>>)
        tpu.yield
      }) : () -> ()
      %dma_start3A = arith.constant 0 : i32
      %dma_start3A_91 = arith.constant 0 : i32
      %dma_start3A_92 = tpu.memref_slice %arg2[%dma_start3A, %dma_start3A_91] : memref<10000x128xf32, #tpu.memory_space<hbm>> -> memref<10000x128xf32, #tpu.memory_space<hbm>>
      tpu.enqueue_indirect_dma source(%dma_start3A_92 : memref<10000x128xf32, #tpu.memory_space<hbm>>) target(%arg15 : memref<128x128xf32, #tpu.memory_space<vmem>>) offsets(%arg12 : memref<128xi32, #tpu.memory_space<vmem>>) semaphore(%arg18 : memref<!tpu.dma_semaphore, #tpu.memory_space<semaphore_mem>>)
      %dma_wait3A = arith.constant 0 : i32
      %dma_wait3A_93 = arith.constant 0 : i32
      %dma_wait3A_94 = tpu.memref_slice %arg2[%dma_wait3A, %dma_wait3A_93] : memref<10000x128xf32, #tpu.memory_space<hbm>> -> memref<10000x128xf32, #tpu.memory_space<hbm>>
      tpu.wait_indirect_dma semaphore(%arg18 : memref<!tpu.dma_semaphore, #tpu.memory_space<semaphore_mem>>) src(%dma_wait3A_94 : memref<10000x128xf32, #tpu.memory_space<hbm>>) dst(%arg15 : memref<128x128xf32, #tpu.memory_space<vmem>>)
      %scan3A = arith.constant 0 : i32
      %scan3A_95 = arith.constant 0 : i32
      %scan3A_96 = arith.constant 128 : i32
      %scan3A_97 = arith.addi %scan3A_95, %scan3A_96 : i32
      %scan3A_98 = arith.constant 1 : i32
      scf.for %scan3A_100 = %scan3A_95 to %scan3A_97 step %scan3A_98  : i32 {
        %get3A = arith.index_cast %scan3A_100 : i32 to index
        %get3A_101 = arith.constant 0 : index
        %get3A_102 = tpu.vector_load %arg15[%get3A, %get3A_101] {strides = array<i32>} : memref<128x128xf32, #tpu.memory_space<vmem>>, vector<1x16xf32>,
        %get3A_103 = vector.shape_cast %get3A_102 : vector<1x16xf32> to vector<16xf32>
        %get3A_104 = arith.index_cast %scan3A_100 : i32 to index
        %get3A_105 = arith.constant 0 : index
        %get3A_106 = tpu.vector_load %arg16[%get3A_104, %get3A_105] {strides = array<i32>} : memref<128x128xf32, #tpu.memory_space<vmem>>, vector<1x16xf32>,
        %get3A_107 = vector.shape_cast %get3A_106 : vector<1x16xf32> to vector<16xf32>
        %mul3A_108 = arith.mulf %get3A_103, %get3A_107 : vector<16xf32>
        %swap3A_109 = arith.index_cast %scan3A_100 : i32 to index
        %swap3A_110 = arith.constant 0 : index
        %swap3A_111 = tpu.vector_load %arg17[%swap3A_109, %swap3A_110] {strides = array<i32>} : memref<128x128xf32, #tpu.memory_space<vmem>>, vector<1x16xf32>,
        %swap3A_112 = vector.shape_cast %swap3A_111 : vector<1x16xf32> to vector<16xf32>
        %swap3A_113 = vector.shape_cast %mul3A_108 : vector<16xf32> to vector<1x16xf32>
        tpu.vector_store %arg17[%swap3A_109, %swap3A_110], %swap3A_113 {strides = array<i32>} : memref<128x128xf32, #tpu.memory_space<vmem>>, vector<1x16xf32>,
        %get3A_114 = arith.index_cast %scan3A_100 : i32 to index
        %get3A_115 = arith.constant 16 : index
        %get3A_116 = tpu.vector_load %arg15[%get3A_114, %get3A_115] {strides = array<i32>} : memref<128x128xf32, #tpu.memory_space<vmem>>, vector<1x16xf32>,
        %get3A_117 = vector.shape_cast %get3A_116 : vector<1x16xf32> to vector<16xf32>
        %get3A_118 = arith.index_cast %scan3A_100 : i32 to index
        %get3A_119 = arith.constant 16 : index
        %get3A_120 = tpu.vector_load %arg16[%get3A_118, %get3A_119] {strides = array<i32>} : memref<128x128xf32, #tpu.memory_space<vmem>>, vector<1x16xf32>,
        %get3A_121 = vector.shape_cast %get3A_120 : vector<1x16xf32> to vector<16xf32>
        %mul3A_122 = arith.mulf %get3A_117, %get3A_121 : vector<16xf32>
        %swap3A_123 = arith.index_cast %scan3A_100 : i32 to index
        %swap3A_124 = arith.constant 16 : index
        %swap3A_125 = tpu.vector_load %arg17[%swap3A_123, %swap3A_124] {strides = array<i32>} : memref<128x128xf32, #tpu.memory_space<vmem>>, vector<1x16xf32>,
        %swap3A_126 = vector.shape_cast %swap3A_125 : vector<1x16xf32> to vector<16xf32>
        %swap3A_127 = vector.shape_cast %mul3A_122 : vector<16xf32> to vector<1x16xf32>
        tpu.vector_store %arg17[%swap3A_123, %swap3A_124], %swap3A_127 {strides = array<i32>} : memref<128x128xf32, #tpu.memory_space<vmem>>, vector<1x16xf32>,
        %get3A_128 = arith.index_cast %scan3A_100 : i32 to index
        %get3A_129 = arith.constant 32 : index
        %get3A_130 = tpu.vector_load %arg15[%get3A_128, %get3A_129] {strides = array<i32>} : memref<128x128xf32, #tpu.memory_space<vmem>>, vector<1x16xf32>,
        %get3A_131 = vector.shape_cast %get3A_130 : vector<1x16xf32> to vector<16xf32>
        %get3A_132 = arith.index_cast %scan3A_100 : i32 to index
        %get3A_133 = arith.constant 32 : index
        %get3A_134 = tpu.vector_load %arg16[%get3A_132, %get3A_133] {strides = array<i32>} : memref<128x128xf32, #tpu.memory_space<vmem>>, vector<1x16xf32>,
        %get3A_135 = vector.shape_cast %get3A_134 : vector<1x16xf32> to vector<16xf32>
        %mul3A_136 = arith.mulf %get3A_131, %get3A_135 : vector<16xf32>
        %swap3A_137 = arith.index_cast %scan3A_100 : i32 to index
        %swap3A_138 = arith.constant 32 : index
        %swap3A_139 = tpu.vector_load %arg17[%swap3A_137, %swap3A_138] {strides = array<i32>} : memref<128x128xf32, #tpu.memory_space<vmem>>, vector<1x16xf32>,
        %swap3A_140 = vector.shape_cast %swap3A_139 : vector<1x16xf32> to vector<16xf32>
        %swap3A_141 = vector.shape_cast %mul3A_136 : vector<16xf32> to vector<1x16xf32>
        tpu.vector_store %arg17[%swap3A_137, %swap3A_138], %swap3A_141 {strides = array<i32>} : memref<128x128xf32, #tpu.memory_space<vmem>>, vector<1x16xf32>,
        %get3A_142 = arith.index_cast %scan3A_100 : i32 to index
        %get3A_143 = arith.constant 48 : index
        %get3A_144 = tpu.vector_load %arg15[%get3A_142, %get3A_143] {strides = array<i32>} : memref<128x128xf32, #tpu.memory_space<vmem>>, vector<1x16xf32>,
        %get3A_145 = vector.shape_cast %get3A_144 : vector<1x16xf32> to vector<16xf32>
        %get3A_146 = arith.index_cast %scan3A_100 : i32 to index
        %get3A_147 = arith.constant 48 : index
        %get3A_148 = tpu.vector_load %arg16[%get3A_146, %get3A_147] {strides = array<i32>} : memref<128x128xf32, #tpu.memory_space<vmem>>, vector<1x16xf32>,
        %get3A_149 = vector.shape_cast %get3A_148 : vector<1x16xf32> to vector<16xf32>
        %mul3A_150 = arith.mulf %get3A_145, %get3A_149 : vector<16xf32>
        %swap3A_151 = arith.index_cast %scan3A_100 : i32 to index
        %swap3A_152 = arith.constant 48 : index
        %swap3A_153 = tpu.vector_load %arg17[%swap3A_151, %swap3A_152] {strides = array<i32>} : memref<128x128xf32, #tpu.memory_space<vmem>>, vector<1x16xf32>,
        %swap3A_154 = vector.shape_cast %swap3A_153 : vector<1x16xf32> to vector<16xf32>
        %swap3A_155 = vector.shape_cast %mul3A_150 : vector<16xf32> to vector<1x16xf32>
        tpu.vector_store %arg17[%swap3A_151, %swap3A_152], %swap3A_155 {strides = array<i32>} : memref<128x128xf32, #tpu.memory_space<vmem>>, vector<1x16xf32>,
        %get3A_156 = arith.index_cast %scan3A_100 : i32 to index
        %get3A_157 = arith.constant 64 : index
        %get3A_158 = tpu.vector_load %arg15[%get3A_156, %get3A_157] {strides = array<i32>} : memref<128x128xf32, #tpu.memory_space<vmem>>, vector<1x16xf32>,
        %get3A_159 = vector.shape_cast %get3A_158 : vector<1x16xf32> to vector<16xf32>
        %get3A_160 = arith.index_cast %scan3A_100 : i32 to index
        %get3A_161 = arith.constant 64 : index
        %get3A_162 = tpu.vector_load %arg16[%get3A_160, %get3A_161] {strides = array<i32>} : memref<128x128xf32, #tpu.memory_space<vmem>>, vector<1x16xf32>,
        %get3A_163 = vector.shape_cast %get3A_162 : vector<1x16xf32> to vector<16xf32>
        %mul3A_164 = arith.mulf %get3A_159, %get3A_163 : vector<16xf32>
        %swap3A_165 = arith.index_cast %scan3A_100 : i32 to index
        %swap3A_166 = arith.constant 64 : index
        %swap3A_167 = tpu.vector_load %arg17[%swap3A_165, %swap3A_166] {strides = array<i32>} : memref<128x128xf32, #tpu.memory_space<vmem>>, vector<1x16xf32>,
        %swap3A_168 = vector.shape_cast %swap3A_167 : vector<1x16xf32> to vector<16xf32>
        %swap3A_169 = vector.shape_cast %mul3A_164 : vector<16xf32> to vector<1x16xf32>
        tpu.vector_store %arg17[%swap3A_165, %swap3A_166], %swap3A_169 {strides = array<i32>} : memref<128x128xf32, #tpu.memory_space<vmem>>, vector<1x16xf32>,
        %get3A_170 = arith.index_cast %scan3A_100 : i32 to index
        %get3A_171 = arith.constant 80 : index
        %get3A_172 = tpu.vector_load %arg15[%get3A_170, %get3A_171] {strides = array<i32>} : memref<128x128xf32, #tpu.memory_space<vmem>>, vector<1x16xf32>,
        %get3A_173 = vector.shape_cast %get3A_172 : vector<1x16xf32> to vector<16xf32>
        %get3A_174 = arith.index_cast %scan3A_100 : i32 to index
        %get3A_175 = arith.constant 80 : index
        %get3A_176 = tpu.vector_load %arg16[%get3A_174, %get3A_175] {strides = array<i32>} : memref<128x128xf32, #tpu.memory_space<vmem>>, vector<1x16xf32>,
        %get3A_177 = vector.shape_cast %get3A_176 : vector<1x16xf32> to vector<16xf32>
        %mul3A_178 = arith.mulf %get3A_173, %get3A_177 : vector<16xf32>
        %swap3A_179 = arith.index_cast %scan3A_100 : i32 to index
        %swap3A_180 = arith.constant 80 : index
        %swap3A_181 = tpu.vector_load %arg17[%swap3A_179, %swap3A_180] {strides = array<i32>} : memref<128x128xf32, #tpu.memory_space<vmem>>, vector<1x16xf32>,
        %swap3A_182 = vector.shape_cast %swap3A_181 : vector<1x16xf32> to vector<16xf32>
        %swap3A_183 = vector.shape_cast %mul3A_178 : vector<16xf32> to vector<1x16xf32>
        tpu.vector_store %arg17[%swap3A_179, %swap3A_180], %swap3A_183 {strides = array<i32>} : memref<128x128xf32, #tpu.memory_space<vmem>>, vector<1x16xf32>,
        %get3A_184 = arith.index_cast %scan3A_100 : i32 to index
        %get3A_185 = arith.constant 96 : index
        %get3A_186 = tpu.vector_load %arg15[%get3A_184, %get3A_185] {strides = array<i32>} : memref<128x128xf32, #tpu.memory_space<vmem>>, vector<1x16xf32>,
        %get3A_187 = vector.shape_cast %get3A_186 : vector<1x16xf32> to vector<16xf32>
        %get3A_188 = arith.index_cast %scan3A_100 : i32 to index
        %get3A_189 = arith.constant 96 : index
        %get3A_190 = tpu.vector_load %arg16[%get3A_188, %get3A_189] {strides = array<i32>} : memref<128x128xf32, #tpu.memory_space<vmem>>, vector<1x16xf32>,
        %get3A_191 = vector.shape_cast %get3A_190 : vector<1x16xf32> to vector<16xf32>
        %mul3A_192 = arith.mulf %get3A_187, %get3A_191 : vector<16xf32>
        %swap3A_193 = arith.index_cast %scan3A_100 : i32 to index
        %swap3A_194 = arith.constant 96 : index
        %swap3A_195 = tpu.vector_load %arg17[%swap3A_193, %swap3A_194] {strides = array<i32>} : memref<128x128xf32, #tpu.memory_space<vmem>>, vector<1x16xf32>,
        %swap3A_196 = vector.shape_cast %swap3A_195 : vector<1x16xf32> to vector<16xf32>
        %swap3A_197 = vector.shape_cast %mul3A_192 : vector<16xf32> to vector<1x16xf32>
        tpu.vector_store %arg17[%swap3A_193, %swap3A_194], %swap3A_197 {strides = array<i32>} : memref<128x128xf32, #tpu.memory_space<vmem>>, vector<1x16xf32>,
        %get3A_198 = arith.index_cast %scan3A_100 : i32 to index
        %get3A_199 = arith.constant 112 : index
        %get3A_200 = tpu.vector_load %arg15[%get3A_198, %get3A_199] {strides = array<i32>} : memref<128x128xf32, #tpu.memory_space<vmem>>, vector<1x16xf32>,
        %get3A_201 = vector.shape_cast %get3A_200 : vector<1x16xf32> to vector<16xf32>
        %get3A_202 = arith.index_cast %scan3A_100 : i32 to index
        %get3A_203 = arith.constant 112 : index
        %get3A_204 = tpu.vector_load %arg16[%get3A_202, %get3A_203] {strides = array<i32>} : memref<128x128xf32, #tpu.memory_space<vmem>>, vector<1x16xf32>,
        %get3A_205 = vector.shape_cast %get3A_204 : vector<1x16xf32> to vector<16xf32>
        %mul3A_206 = arith.mulf %get3A_201, %get3A_205 : vector<16xf32>
        %swap3A_207 = arith.index_cast %scan3A_100 : i32 to index
        %swap3A_208 = arith.constant 112 : index
        %swap3A_209 = tpu.vector_load %arg17[%swap3A_207, %swap3A_208] {strides = array<i32>} : memref<128x128xf32, #tpu.memory_space<vmem>>, vector<1x16xf32>,
        %swap3A_210 = vector.shape_cast %swap3A_209 : vector<1x16xf32> to vector<16xf32>
        %swap3A_211 = vector.shape_cast %mul3A_206 : vector<16xf32> to vector<1x16xf32>
        tpu.vector_store %arg17[%swap3A_207, %swap3A_208], %swap3A_211 {strides = array<i32>} : memref<128x128xf32, #tpu.memory_space<vmem>>, vector<1x16xf32>,
      }
      %scan3A_99 = arith.constant 128 : i32
      "tpu.region"() ({
        %run_scoped3A = tpu.sem_alloc : memref<!tpu.dma_semaphore, #tpu.memory_space<semaphore_mem>>
        %dma_start3A_100 = arith.constant 0 : i32
        %dma_start3A_101 = arith.constant 0 : i32
        %dma_start3A_102 = tpu.memref_slice %arg10[%dma_start3A_100, %dma_start3A_101] : memref<10000x128xf32, #tpu.memory_space<vmem_shared>> -> memref<10000x128xf32, #tpu.memory_space<vmem_shared>>
        tpu.enqueue_indirect_dma source(%arg17 : memref<128x128xf32, #tpu.memory_space<vmem>>) target(%dma_start3A_102 : memref<10000x128xf32, #tpu.memory_space<vmem_shared>>) offsets(%arg13 : memref<128xi32, #tpu.memory_space<vmem>>) semaphore(%run_scoped3A : memref<!tpu.dma_semaphore, #tpu.memory_space<semaphore_mem>>) {add = true}
        %dma_wait3A_103 = arith.constant 0 : i32
        %dma_wait3A_104 = arith.constant 0 : i32
        %dma_wait3A_105 = tpu.memref_slice %arg10[%dma_wait3A_103, %dma_wait3A_104] : memref<10000x128xf32, #tpu.memory_space<vmem_shared>> -> memref<10000x128xf32, #tpu.memory_space<vmem_shared>>
        tpu.wait_indirect_dma semaphore(%run_scoped3A : memref<!tpu.dma_semaphore, #tpu.memory_space<semaphore_mem>>) src(%arg17 : memref<128x128xf32, #tpu.memory_space<vmem>>) dst(%dma_wait3A_105 : memref<10000x128xf32, #tpu.memory_space<vmem_shared>>)
        tpu.yield
      }) : () -> ()
      "tpu.region"() ({
        %run_scoped3A = tpu.sem_alloc : memref<!tpu.dma_semaphore, #tpu.memory_space<semaphore_mem>>
        %dma_start3A_100 = arith.constant 0 : i32
        %dma_start3A_101 = tpu.memref_slice %arg11[%dma_start3A_100] : memref<10240xf32, #tpu.memory_space<vmem_shared>> -> memref<10240xf32, #tpu.memory_space<vmem_shared>>
        tpu.enqueue_indirect_dma source(%arg14 : memref<128xf32, #tpu.memory_space<vmem>>) target(%dma_start3A_101 : memref<10240xf32, #tpu.memory_space<vmem_shared>>) offsets(%arg13 : memref<128xi32, #tpu.memory_space<vmem>>) semaphore(%run_scoped3A : memref<!tpu.dma_semaphore, #tpu.memory_space<semaphore_mem>>) {add = true}
        %dma_wait3A_102 = arith.constant 0 : i32
        %dma_wait3A_103 = tpu.memref_slice %arg11[%dma_wait3A_102] : memref<10240xf32, #tpu.memory_space<vmem_shared>> -> memref<10240xf32, #tpu.memory_space<vmem_shared>>
        tpu.wait_indirect_dma semaphore(%run_scoped3A : memref<!tpu.dma_semaphore, #tpu.memory_space<semaphore_mem>>) src(%arg14 : memref<128xf32, #tpu.memory_space<vmem>>) dst(%dma_wait3A_103 : memref<10240xf32, #tpu.memory_space<vmem_shared>>)
        tpu.yield
      }) : () -> ()
    }
    %barrier3A_73 = arith.constant 0 : index
    tpu.barrier barrier_id(%barrier3A_73)
    %lt3A_74 = arith.constant 15 : i32
    %lt3A_75 = arith.cmpi slt, %arg1, %lt3A_74 : i32
    %convert_element_type3A_76 = arith.extui %lt3A_75 : i1 to i32
    %cond3A_77 = arith.constant 0 : i32
    %cond3A_78 = arith.cmpi ne, %convert_element_type3A_76, %cond3A_77 : i32
    scf.if %cond3A_78 {
      "tpu.region"() ({
        %run_scoped3A = tpu.sem_alloc : memref<!tpu.dma_semaphore, #tpu.memory_space<semaphore_mem>>
        %dma_start3A = arith.constant 0 : i32
        %dma_start3A_87 = tpu.memref_slice %arg8[%arg0, %mul3A_0, %dma_start3A] : memref<2x10000x128xf32, #tpu.memory_space<hbm>> -> memref<1x624x128xf32, #tpu.memory_space<hbm>>
        %dma_start3A_88 = tpu.memref_squeeze %dma_start3A_87 : memref<1x624x128xf32, #tpu.memory_space<hbm>> -> memref<624x128xf32, #tpu.memory_space<hbm>>
        %dma_start3A_89 = arith.constant 0 : i32
        %dma_start3A_90 = tpu.memref_slice %arg10[%mul3A_0, %dma_start3A_89] : memref<10000x128xf32, #tpu.memory_space<vmem_shared>> -> memref<624x128xf32, #tpu.memory_space<vmem_shared>>
        tpu.enqueue_dma source(%dma_start3A_90 : memref<624x128xf32, #tpu.memory_space<vmem_shared>>) target(%dma_start3A_88 : memref<624x128xf32, #tpu.memory_space<hbm>>) target_semaphore(%run_scoped3A : memref<!tpu.dma_semaphore, #tpu.memory_space<semaphore_mem>>)
        %dma_wait3A = arith.constant 0 : i32
        %dma_wait3A_91 = tpu.memref_slice %arg8[%arg0, %mul3A_0, %dma_wait3A] : memref<2x10000x128xf32, #tpu.memory_space<hbm>> -> memref<1x624x128xf32, #tpu.memory_space<hbm>>
        %dma_wait3A_92 = tpu.memref_squeeze %dma_wait3A_91 : memref<1x624x128xf32, #tpu.memory_space<hbm>> -> memref<624x128xf32, #tpu.memory_space<hbm>>
        %dma_wait3A_93 = arith.constant 0 : i32
        %dma_wait3A_94 = tpu.memref_slice %arg10[%mul3A_0, %dma_wait3A_93] : memref<10000x128xf32, #tpu.memory_space<vmem_shared>> -> memref<624x128xf32, #tpu.memory_space<vmem_shared>>
        tpu.wait_dma2 semaphore(%run_scoped3A : memref<!tpu.dma_semaphore, #tpu.memory_space<semaphore_mem>>) src(%dma_wait3A_94 : memref<624x128xf32, #tpu.memory_space<vmem_shared>>) dst(%dma_wait3A_92 : memref<624x128xf32, #tpu.memory_space<hbm>>)
        tpu.yield
      }) : () -> ()
    } else {
    }
    %eq3A_79 = arith.constant 15 : i32
    %eq3A_80 = arith.cmpi eq, %arg1, %eq3A_79 : i32
    %convert_element_type3A_81 = arith.extui %eq3A_80 : i1 to i32
    %cond3A_82 = arith.constant 0 : i32
    %cond3A_83 = arith.cmpi ne, %convert_element_type3A_81, %cond3A_82 : i32
    scf.if %cond3A_83 {
      "tpu.region"() ({
        %run_scoped3A = tpu.sem_alloc : memref<!tpu.dma_semaphore, #tpu.memory_space<semaphore_mem>>
        %dma_start3A = arith.constant 0 : i32
        %dma_start3A_87 = tpu.memref_slice %arg8[%arg0, %mul3A_0, %dma_start3A] : memref<2x10000x128xf32, #tpu.memory_space<hbm>> -> memref<1x640x128xf32, #tpu.memory_space<hbm>>
        %dma_start3A_88 = tpu.memref_squeeze %dma_start3A_87 : memref<1x640x128xf32, #tpu.memory_space<hbm>> -> memref<640x128xf32, #tpu.memory_space<hbm>>
        %dma_start3A_89 = arith.constant 0 : i32
        %dma_start3A_90 = tpu.memref_slice %arg10[%mul3A_0, %dma_start3A_89] : memref<10000x128xf32, #tpu.memory_space<vmem_shared>> -> memref<640x128xf32, #tpu.memory_space<vmem_shared>>
        tpu.enqueue_dma source(%dma_start3A_90 : memref<640x128xf32, #tpu.memory_space<vmem_shared>>) target(%dma_start3A_88 : memref<640x128xf32, #tpu.memory_space<hbm>>) target_semaphore(%run_scoped3A : memref<!tpu.dma_semaphore, #tpu.memory_space<semaphore_mem>>)
        %dma_wait3A = arith.constant 0 : i32
        %dma_wait3A_91 = tpu.memref_slice %arg8[%arg0, %mul3A_0, %dma_wait3A] : memref<2x10000x128xf32, #tpu.memory_space<hbm>> -> memref<1x640x128xf32, #tpu.memory_space<hbm>>
        %dma_wait3A_92 = tpu.memref_squeeze %dma_wait3A_91 : memref<1x640x128xf32, #tpu.memory_space<hbm>> -> memref<640x128xf32, #tpu.memory_space<hbm>>
        %dma_wait3A_93 = arith.constant 0 : i32
        %dma_wait3A_94 = tpu.memref_slice %arg10[%mul3A_0, %dma_wait3A_93] : memref<10000x128xf32, #tpu.memory_space<vmem_shared>> -> memref<640x128xf32, #tpu.memory_space<vmem_shared>>
        tpu.wait_dma2 semaphore(%run_scoped3A : memref<!tpu.dma_semaphore, #tpu.memory_space<semaphore_mem>>) src(%dma_wait3A_94 : memref<640x128xf32, #tpu.memory_space<vmem_shared>>) dst(%dma_wait3A_92 : memref<640x128xf32, #tpu.memory_space<hbm>>)
        tpu.yield
      }) : () -> ()
    } else {
    }
    %mul3A_84 = arith.constant 10240 : i32
    %mul3A_85 = arith.muli %arg0, %mul3A_84 : i32
    %add3A_86 = arith.addi %mul3A_85, %mul3A_8 : i32
    "tpu.region"() ({
      %run_scoped3A = tpu.sem_alloc : memref<!tpu.dma_semaphore, #tpu.memory_space<semaphore_mem>>
      %dma_start3A = tpu.memref_slice %arg9[%add3A_86] : memref<20480xf32, #tpu.memory_space<hbm>> -> memref<640xf32, #tpu.memory_space<hbm>>
      %dma_start3A_87 = tpu.memref_slice %arg11[%mul3A_8] : memref<10240xf32, #tpu.memory_space<vmem_shared>> -> memref<640xf32, #tpu.memory_space<vmem_shared>>
      tpu.enqueue_dma source(%dma_start3A_87 : memref<640xf32, #tpu.memory_space<vmem_shared>>) target(%dma_start3A : memref<640xf32, #tpu.memory_space<hbm>>) target_semaphore(%run_scoped3A : memref<!tpu.dma_semaphore, #tpu.memory_space<semaphore_mem>>)
      %dma_wait3A = tpu.memref_slice %arg9[%add3A_86] : memref<20480xf32, #tpu.memory_space<hbm>> -> memref<640xf32, #tpu.memory_space<hbm>>
      %dma_wait3A_88 = tpu.memref_slice %arg11[%mul3A_8] : memref<10240xf32, #tpu.memory_space<vmem_shared>> -> memref<640xf32, #tpu.memory_space<vmem_shared>>
      tpu.wait_dma2 semaphore(%run_scoped3A : memref<!tpu.dma_semaphore, #tpu.memory_space<semaphore_mem>>) src(%dma_wait3A_88 : memref<640xf32, #tpu.memory_space<vmem_shared>>) dst(%dma_wait3A : memref<640xf32, #tpu.memory_space<hbm>>)
      tpu.yield
    }) : () -> ()
    return
  }
}

module attributes {stable_mosaic.version = 14 : i64} {
  func.func @_softmax_body(%arg0: i32, %arg1: memref<2000x128xf32, #tpu.memory_space<vmem>>, %arg2: memref<2000x128xf32, #tpu.memory_space<vmem>>) attributes {dimension_semantics = [#tpu.dimension_semantics<arbitrary>], iteration_bounds = array<i64: 5>, scalar_prefetch = 0 : i64, scratch_operands = 0 : i64, tpu.core_type = #tpu.core_type<tc>, window_params = [{transform_indices = @transform_0, window_bounds = array<i64: 2000, 128>}, {transform_indices = @transform_1, window_bounds = array<i64: 2000, 128>}]} {
    %get3A = arith.constant 0 : index
    %get3A_0 = arith.constant 0 : index
    %get3A_1 = vector.load %arg1[%get3A, %get3A_0] : memref<2000x128xf32, #tpu.memory_space<vmem>>, vector<2000x128xf32>
    %reduce_max3A = arith.constant dense<0xFF800000> : vector<2000xf32>
    %reduce_max3A_2 = vector.multi_reduction <maximumf>, %get3A_1, %reduce_max3A [1] : vector<2000x128xf32> to vector<2000xf32>
    %broadcast_in_dim3A = vector.shape_cast %reduce_max3A_2 : vector<2000xf32> to vector<2000x1xf32>
    %sub3A = vector.broadcast %broadcast_in_dim3A : vector<2000x1xf32> to vector<2000x128xf32>
    %sub3A_3 = arith.subf %get3A_1, %sub3A : vector<2000x128xf32>
    %exp3A = math.exp %sub3A_3 : vector<2000x128xf32>
    %reduce_sum3A = arith.constant dense<0.000000e+00> : vector<2000xf32>
    %reduce_sum3A_4 = vector.multi_reduction <add>, %exp3A, %reduce_sum3A [1] : vector<2000x128xf32> to vector<2000xf32>
    %broadcast_in_dim3A_5 = vector.shape_cast %reduce_sum3A_4 : vector<2000xf32> to vector<2000x1xf32>
    %div3A = vector.broadcast %broadcast_in_dim3A_5 : vector<2000x1xf32> to vector<2000x128xf32>
    %div3A_6 = arith.divf %exp3A, %div3A : vector<2000x128xf32>
    %swap3A = arith.constant 0 : index
    %swap3A_7 = arith.constant 0 : index
    %swap3A_8 = vector.load %arg2[%swap3A, %swap3A_7] : memref<2000x128xf32, #tpu.memory_space<vmem>>, vector<2000x128xf32>
    tpu.vector_store %arg2[%swap3A, %swap3A_7], %div3A_6 {strides = array<i32>} : memref<2000x128xf32, #tpu.memory_space<vmem>>, vector<2000x128xf32>,
    return
  }
  func.func @transform_0(%arg0: i32) -> (i32, i32) {
    %c0_i32 = arith.constant 0 : i32
    %c0_i32_0 = arith.constant 0 : i32
    return %arg0, %c0_i32 : i32, i32
  }
  func.func @transform_1(%arg0: i32) -> (i32, i32) {
    %c0_i32 = arith.constant 0 : i32
    %c0_i32_0 = arith.constant 0 : i32
    return %arg0, %c0_i32 : i32, i32
  }
}

module attributes {stable_mosaic.version = 14 : i64} {
  func.func @_mlp_body(%arg0: i32, %arg1: memref<3200x16xf32, #tpu.memory_space<vmem>>, %arg2: memref<16x64xf32, #tpu.memory_space<vmem>>, %arg3: memref<1x64xf32, #tpu.memory_space<vmem>>, %arg4: memref<64x128xf32, #tpu.memory_space<vmem>>, %arg5: memref<1x128xf32, #tpu.memory_space<vmem>>, %arg6: memref<3200x128xf32, #tpu.memory_space<vmem>>) attributes {dimension_semantics = [#tpu.dimension_semantics<arbitrary>], iteration_bounds = array<i64: 100>, scalar_prefetch = 0 : i64, scratch_operands = 0 : i64, tpu.core_type = #tpu.core_type<tc>, window_params = [{transform_indices = @transform_0, window_bounds = array<i64: 3200, 16>}, {pipeline_mode = #tpu.pipeline_mode<synchronous>, transform_indices = @transform_1, window_bounds = array<i64: 16, 64>}, {pipeline_mode = #tpu.pipeline_mode<synchronous>, transform_indices = @transform_2, window_bounds = array<i64: 1, 64>}, {pipeline_mode = #tpu.pipeline_mode<synchronous>, transform_indices = @transform_3, window_bounds = array<i64: 64, 128>}, {pipeline_mode = #tpu.pipeline_mode<synchronous>, transform_indices = @transform_4, window_bounds = array<i64: 1, 128>}, {transform_indices = @transform_5, window_bounds = array<i64: 3200, 128>}]} {
    %get3A = arith.constant 0 : index
    %get3A_0 = arith.constant 0 : index
    %get3A_1 = vector.load %arg1[%get3A, %get3A_0] : memref<3200x16xf32, #tpu.memory_space<vmem>>, vector<3200x16xf32>
    %get3A_2 = arith.constant 0 : index
    %get3A_3 = arith.constant 0 : index
    %get3A_4 = vector.load %arg2[%get3A_2, %get3A_3] : memref<16x64xf32, #tpu.memory_space<vmem>>, vector<16x64xf32>
    %dot_general3A = arith.constant dense<0.000000e+00> : vector<3200x64xf32>
    %dot_general3A_5 = tpu.matmul %get3A_1, %get3A_4, %dot_general3A {dimension_numbers = #tpu.dot_dimension_numbers<[1], [0], [0], [1], [0, 0, 1, 1], [], []>, transpose_lhs_hint = false} : vector<3200x16xf32>, vector<16x64xf32>, vector<3200x64xf32> -> vector<3200x64xf32>
    %get3A_6 = arith.constant 0 : index
    %get3A_7 = arith.constant 0 : index
    %get3A_8 = vector.load %arg3[%get3A_6, %get3A_7] : memref<1x64xf32, #tpu.memory_space<vmem>>, vector<1x64xf32>
    %add3A = vector.broadcast %get3A_8 : vector<1x64xf32> to vector<3200x64xf32>
    %add3A_9 = arith.addf %dot_general3A_5, %add3A : vector<3200x64xf32>
    %max3A = arith.constant 0.000000e+00 : f32
    %max3A_10 = vector.broadcast %max3A : f32 to vector<3200x64xf32>
    %max3A_11 = arith.maximumf %add3A_9, %max3A_10 : vector<3200x64xf32>
    %get3A_12 = arith.constant 0 : index
    %get3A_13 = arith.constant 0 : index
    %get3A_14 = vector.load %arg4[%get3A_12, %get3A_13] : memref<64x128xf32, #tpu.memory_space<vmem>>, vector<64x128xf32>
    %dot_general3A_15 = arith.constant dense<0.000000e+00> : vector<3200x128xf32>
    %dot_general3A_16 = tpu.matmul %max3A_11, %get3A_14, %dot_general3A_15 {dimension_numbers = #tpu.dot_dimension_numbers<[1], [0], [0], [1], [0, 0, 1, 1], [], []>, transpose_lhs_hint = false} : vector<3200x64xf32>, vector<64x128xf32>, vector<3200x128xf32> -> vector<3200x128xf32>
    %get3A_17 = arith.constant 0 : index
    %get3A_18 = arith.constant 0 : index
    %get3A_19 = vector.load %arg5[%get3A_17, %get3A_18] : memref<1x128xf32, #tpu.memory_space<vmem>>, vector<1x128xf32>
    %add3A_20 = vector.broadcast %get3A_19 : vector<1x128xf32> to vector<3200x128xf32>
    %add3A_21 = arith.addf %dot_general3A_16, %add3A_20 : vector<3200x128xf32>
    %swap3A = arith.constant 0 : index
    %swap3A_22 = arith.constant 0 : index
    %swap3A_23 = vector.load %arg6[%swap3A, %swap3A_22] : memref<3200x128xf32, #tpu.memory_space<vmem>>, vector<3200x128xf32>
    tpu.vector_store %arg6[%swap3A, %swap3A_22], %add3A_21 {strides = array<i32>} : memref<3200x128xf32, #tpu.memory_space<vmem>>, vector<3200x128xf32>,
    return
  }
  func.func @transform_0(%arg0: i32) -> (i32, i32) {
    %c0_i32 = arith.constant 0 : i32
    %c0_i32_0 = arith.constant 0 : i32
    return %arg0, %c0_i32 : i32, i32
  }
  func.func @transform_1(%arg0: i32) -> (i32, i32) {
    %c0_i32 = arith.constant 0 : i32
    %c0_i32_0 = arith.constant 0 : i32
    %c0_i32_1 = arith.constant 0 : i32
    return %c0_i32, %c0_i32_0 : i32, i32
  }
  func.func @transform_2(%arg0: i32) -> (i32, i32) {
    %c0_i32 = arith.constant 0 : i32
    %c0_i32_0 = arith.constant 0 : i32
    %c0_i32_1 = arith.constant 0 : i32
    return %c0_i32, %c0_i32_0 : i32, i32
  }
  func.func @transform_3(%arg0: i32) -> (i32, i32) {
    %c0_i32 = arith.constant 0 : i32
    %c0_i32_0 = arith.constant 0 : i32
    %c0_i32_1 = arith.constant 0 : i32
    return %c0_i32, %c0_i32_0 : i32, i32
  }
  func.func @transform_4(%arg0: i32) -> (i32, i32) {
    %c0_i32 = arith.constant 0 : i32
    %c0_i32_0 = arith.constant 0 : i32
    %c0_i32_1 = arith.constant 0 : i32
    return %c0_i32, %c0_i32_0 : i32, i32
  }
  func.func @transform_5(%arg0: i32) -> (i32, i32) {
    %c0_i32 = arith.constant 0 : i32
    %c0_i32_0 = arith.constant 0 : i32
    return %arg0, %c0_i32 : i32, i32
  }
}

module attributes {stable_mosaic.version = 14 : i64} {
  func.func @_upd_softmax_body(%arg0: i32, %arg1: memref<2000x128xf32, #tpu.memory_space<vmem>>, %arg2: memref<2x2000x128xf32, #tpu.memory_space<vmem>>, %arg3: memref<2000x1xf32, #tpu.memory_space<vmem>>, %arg4: memref<2000x1xf32, #tpu.memory_space<vmem>>, %arg5: memref<2000x128xf32, #tpu.memory_space<vmem>>) attributes {dimension_semantics = [#tpu.dimension_semantics<arbitrary>], iteration_bounds = array<i64: 5>, scalar_prefetch = 0 : i64, scratch_operands = 0 : i64, tpu.core_type = #tpu.core_type<tc>, window_params = [{transform_indices = @transform_0, window_bounds = array<i64: 2000, 128>}, {transform_indices = @transform_1, window_bounds = array<i64: 2, 2000, 128>}, {transform_indices = @transform_2, window_bounds = array<i64: 2000, 1>}, {transform_indices = @transform_3, window_bounds = array<i64: 2000, 1>}, {transform_indices = @transform_4, window_bounds = array<i64: 2000, 128>}]} {
    %get3A = arith.constant 0 : index
    %get3A_0 = arith.constant 0 : index
    %get3A_1 = arith.constant 0 : index
    %get3A_2 = vector.load %arg2[%get3A, %get3A_0, %get3A_1] : memref<2x2000x128xf32, #tpu.memory_space<vmem>>, vector<1x2000x128xf32>
    %get3A_3 = vector.shape_cast %get3A_2 : vector<1x2000x128xf32> to vector<2000x128xf32>
    %get3A_4 = arith.constant 1 : index
    %get3A_5 = arith.constant 0 : index
    %get3A_6 = arith.constant 0 : index
    %get3A_7 = vector.load %arg2[%get3A_4, %get3A_5, %get3A_6] : memref<2x2000x128xf32, #tpu.memory_space<vmem>>, vector<1x2000x128xf32>
    %get3A_8 = vector.shape_cast %get3A_7 : vector<1x2000x128xf32> to vector<2000x128xf32>
    %add3A = arith.addf %get3A_3, %get3A_8 : vector<2000x128xf32>
    %get3A_9 = arith.constant 0 : index
    %get3A_10 = arith.constant 0 : index
    %get3A_11 = vector.load %arg3[%get3A_9, %get3A_10] : memref<2000x1xf32, #tpu.memory_space<vmem>>, vector<2000x1xf32>
    %get3A_12 = arith.constant 0 : index
    %get3A_13 = arith.constant 0 : index
    %get3A_14 = vector.load %arg4[%get3A_12, %get3A_13] : memref<2000x1xf32, #tpu.memory_space<vmem>>, vector<2000x1xf32>
    %add3A_15 = arith.addf %get3A_11, %get3A_14 : vector<2000x1xf32>
    %max3A = arith.constant 1.000000e+00 : f32
    %max3A_16 = vector.broadcast %max3A : f32 to vector<2000x1xf32>
    %max3A_17 = arith.maximumf %add3A_15, %max3A_16 : vector<2000x1xf32>
    %get3A_18 = arith.constant 0 : index
    %get3A_19 = arith.constant 0 : index
    %get3A_20 = vector.load %arg1[%get3A_18, %get3A_19] : memref<2000x128xf32, #tpu.memory_space<vmem>>, vector<2000x128xf32>
    %div3A = vector.broadcast %max3A_17 : vector<2000x1xf32> to vector<2000x128xf32>
    %div3A_21 = arith.divf %add3A, %div3A : vector<2000x128xf32>
    %sub3A = arith.subf %get3A_20, %div3A_21 : vector<2000x128xf32>
    %reduce_max3A = arith.constant dense<0xFF800000> : vector<2000xf32>
    %reduce_max3A_22 = vector.multi_reduction <maximumf>, %sub3A, %reduce_max3A [1] : vector<2000x128xf32> to vector<2000xf32>
    %broadcast_in_dim3A = vector.shape_cast %reduce_max3A_22 : vector<2000xf32> to vector<2000x1xf32>
    %sub3A_23 = vector.broadcast %broadcast_in_dim3A : vector<2000x1xf32> to vector<2000x128xf32>
    %sub3A_24 = arith.subf %sub3A, %sub3A_23 : vector<2000x128xf32>
    %exp3A = math.exp %sub3A_24 : vector<2000x128xf32>
    %reduce_sum3A = arith.constant dense<0.000000e+00> : vector<2000xf32>
    %reduce_sum3A_25 = vector.multi_reduction <add>, %exp3A, %reduce_sum3A [1] : vector<2000x128xf32> to vector<2000xf32>
    %broadcast_in_dim3A_26 = vector.shape_cast %reduce_sum3A_25 : vector<2000xf32> to vector<2000x1xf32>
    %div3A_27 = vector.broadcast %broadcast_in_dim3A_26 : vector<2000x1xf32> to vector<2000x128xf32>
    %div3A_28 = arith.divf %exp3A, %div3A_27 : vector<2000x128xf32>
    %swap3A = arith.constant 0 : index
    %swap3A_29 = arith.constant 0 : index
    %swap3A_30 = vector.load %arg5[%swap3A, %swap3A_29] : memref<2000x128xf32, #tpu.memory_space<vmem>>, vector<2000x128xf32>
    tpu.vector_store %arg5[%swap3A, %swap3A_29], %div3A_28 {strides = array<i32>} : memref<2000x128xf32, #tpu.memory_space<vmem>>, vector<2000x128xf32>,
    return
  }
  func.func @transform_0(%arg0: i32) -> (i32, i32) {
    %c0_i32 = arith.constant 0 : i32
    %c0_i32_0 = arith.constant 0 : i32
    return %arg0, %c0_i32 : i32, i32
  }
  func.func @transform_1(%arg0: i32) -> (i32, i32, i32) {
    %c0_i32 = arith.constant 0 : i32
    %c0_i32_0 = arith.constant 0 : i32
    %c0_i32_1 = arith.constant 0 : i32
    return %c0_i32, %arg0, %c0_i32_0 : i32, i32, i32
  }
  func.func @transform_2(%arg0: i32) -> (i32, i32) {
    %c0_i32 = arith.constant 0 : i32
    %c0_i32_0 = arith.constant 0 : i32
    return %arg0, %c0_i32 : i32, i32
  }
  func.func @transform_3(%arg0: i32) -> (i32, i32) {
    %c0_i32 = arith.constant 0 : i32
    %c0_i32_0 = arith.constant 0 : i32
    return %arg0, %c0_i32 : i32, i32
  }
  func.func @transform_4(%arg0: i32) -> (i32, i32) {
    %c0_i32 = arith.constant 0 : i32
    %c0_i32_0 = arith.constant 0 : i32
    return %arg0, %c0_i32 : i32, i32
  }
}

module attributes {stable_mosaic.version = 14 : i64} {
  func.func @_upd_final_body(%arg0: i32, %arg1: memref<2000x128xf32, #tpu.memory_space<vmem>>, %arg2: memref<2x2000x128xf32, #tpu.memory_space<vmem>>, %arg3: memref<2000x1xf32, #tpu.memory_space<vmem>>, %arg4: memref<2000x1xf32, #tpu.memory_space<vmem>>, %arg5: memref<2000x128xf32, #tpu.memory_space<vmem>>) attributes {dimension_semantics = [#tpu.dimension_semantics<arbitrary>], iteration_bounds = array<i64: 5>, scalar_prefetch = 0 : i64, scratch_operands = 0 : i64, tpu.core_type = #tpu.core_type<tc>, window_params = [{transform_indices = @transform_0, window_bounds = array<i64: 2000, 128>}, {transform_indices = @transform_1, window_bounds = array<i64: 2, 2000, 128>}, {transform_indices = @transform_2, window_bounds = array<i64: 2000, 1>}, {transform_indices = @transform_3, window_bounds = array<i64: 2000, 1>}, {transform_indices = @transform_4, window_bounds = array<i64: 2000, 128>}]} {
    %get3A = arith.constant 0 : index
    %get3A_0 = arith.constant 0 : index
    %get3A_1 = arith.constant 0 : index
    %get3A_2 = vector.load %arg2[%get3A, %get3A_0, %get3A_1] : memref<2x2000x128xf32, #tpu.memory_space<vmem>>, vector<1x2000x128xf32>
    %get3A_3 = vector.shape_cast %get3A_2 : vector<1x2000x128xf32> to vector<2000x128xf32>
    %get3A_4 = arith.constant 1 : index
    %get3A_5 = arith.constant 0 : index
    %get3A_6 = arith.constant 0 : index
    %get3A_7 = vector.load %arg2[%get3A_4, %get3A_5, %get3A_6] : memref<2x2000x128xf32, #tpu.memory_space<vmem>>, vector<1x2000x128xf32>
    %get3A_8 = vector.shape_cast %get3A_7 : vector<1x2000x128xf32> to vector<2000x128xf32>
    %add3A = arith.addf %get3A_3, %get3A_8 : vector<2000x128xf32>
    %get3A_9 = arith.constant 0 : index
    %get3A_10 = arith.constant 0 : index
    %get3A_11 = vector.load %arg3[%get3A_9, %get3A_10] : memref<2000x1xf32, #tpu.memory_space<vmem>>, vector<2000x1xf32>
    %get3A_12 = arith.constant 0 : index
    %get3A_13 = arith.constant 0 : index
    %get3A_14 = vector.load %arg4[%get3A_12, %get3A_13] : memref<2000x1xf32, #tpu.memory_space<vmem>>, vector<2000x1xf32>
    %add3A_15 = arith.addf %get3A_11, %get3A_14 : vector<2000x1xf32>
    %max3A = arith.constant 1.000000e+00 : f32
    %max3A_16 = vector.broadcast %max3A : f32 to vector<2000x1xf32>
    %max3A_17 = arith.maximumf %add3A_15, %max3A_16 : vector<2000x1xf32>
    %get3A_18 = arith.constant 0 : index
    %get3A_19 = arith.constant 0 : index
    %get3A_20 = vector.load %arg1[%get3A_18, %get3A_19] : memref<2000x128xf32, #tpu.memory_space<vmem>>, vector<2000x128xf32>
    %div3A = vector.broadcast %max3A_17 : vector<2000x1xf32> to vector<2000x128xf32>
    %div3A_21 = arith.divf %add3A, %div3A : vector<2000x128xf32>
    %sub3A = arith.subf %get3A_20, %div3A_21 : vector<2000x128xf32>
    %swap3A = arith.constant 0 : index
    %swap3A_22 = arith.constant 0 : index
    %swap3A_23 = vector.load %arg5[%swap3A, %swap3A_22] : memref<2000x128xf32, #tpu.memory_space<vmem>>, vector<2000x128xf32>
    tpu.vector_store %arg5[%swap3A, %swap3A_22], %sub3A {strides = array<i32>} : memref<2000x128xf32, #tpu.memory_space<vmem>>, vector<2000x128xf32>,
    return
  }
  func.func @transform_0(%arg0: i32) -> (i32, i32) {
    %c0_i32 = arith.constant 0 : i32
    %c0_i32_0 = arith.constant 0 : i32
    return %arg0, %c0_i32 : i32, i32
  }
  func.func @transform_1(%arg0: i32) -> (i32, i32, i32) {
    %c0_i32 = arith.constant 0 : i32
    %c0_i32_0 = arith.constant 0 : i32
    %c0_i32_1 = arith.constant 0 : i32
    return %c0_i32, %arg0, %c0_i32_0 : i32, i32, i32
  }
  func.func @transform_2(%arg0: i32) -> (i32, i32) {
    %c0_i32 = arith.constant 0 : i32
    %c0_i32_0 = arith.constant 0 : i32
    return %arg0, %c0_i32 : i32, i32
  }
  func.func @transform_3(%arg0: i32) -> (i32, i32) {
    %c0_i32 = arith.constant 0 : i32
    %c0_i32_0 = arith.constant 0 : i32
    return %arg0, %c0_i32 : i32, i32
  }
  func.func @transform_4(%arg0: i32) -> (i32, i32) {
    %c0_i32 = arith.constant 0 : i32
    %c0_i32_0 = arith.constant 0 : i32
    return %arg0, %c0_i32 : i32, i32
  }
}

</mosaic_0001>

<sc_bundles>
// kernel: kernel.11.cloned.1.call-start
scs
__scs_entry_jumppad:
0x0: {  	(pc) =	sbr.rel $0x88, $3  }
0x1: {  	(tag) =	ssettag $0x0;
	lr =	simm.s32 $0x1  }
0x2: {  	[smem:$0x3F9A] =	sst lr;
	_ =	strace $0xD0000000  }
0x3: {  	_ = 	snop  }
0x4: {  	_ = 	snop  }
0x5: {  	_ = 	snop  }
0x6: {  	_ = 	snop  }
0x7: {  	_ = 	snop  }
__scs_overlays_trampoline_lowered:
0x8: {  	[smem:$0x3FA9] =	sst s0  }
0x9: {  	[smem:$0x3FAA] =	sst s1  }
0xa: {  	[smem:$0x3FAB] =	sst s2  }
0xb: {  	[smem:$0x3FAC] =	sst s3  }
0xc: {  	[smem:$0x3FAD] =	sst s4  }
0xd: {  	[smem:$0x3FAE] =	sst s5  }
0xe: {  	[smem:$0x3FAF] =	sst s6  }
0xf: {  	[smem:$0x3FB0] =	sst s7  }
0x10: {  	[smem:$0x3FB1] =	sst s8  }
0x11: {  	[smem:$0x3FB2] =	sst s9;
	s0 =	simm.s32 @!p0 $0x0  }
0x12: {  	s1 =	sld [smem:$0x3F98];
	s0 =	simm.s32 @p0 $0x1  }
0x13: {  	[smem:$0x3FB3] =	sst s0;
	s0 =	simm.s32 @!p1 $0x0  }
0x14: {  	s2 =	sld [smem:$0x3F97];
	s0 =	simm.s32 @p1 $0x1  }
0x15: {  	[smem:$0x3FB4] =	sst s0;
	s0 =	simm.s32 @!p2 $0x0  }
0x16: {  	s3 =	sld [smem:$0x3FDB];
	s0 =	simm.s32 @p2 $0x1  }
0x17: {  	s4 =	simm.s32 $0x1BF5;
	[smem:$0x3FB6] =	sst s0  }
0x18: {  	s0 =	sld [smem:$0x3F99];
	_ =	swait.ge [sflag:s4], $0x0  }
0x19: {  	s7 =	sld [smem:$0x3F9A]  }
0x1a: {  	s8 =	sadd.s32 $0xFFFFE003, lr  }
0x1b: {  	s9 =	sadd.s32 $0xFFFFFEF7, lr;
	s5 =	simm.s32 $0xFFFFFFFF;
	p2 =	slt.u32 s8, $0xFFFFF086  }
0x1c: {  	p1 =	slt.u32 s9, $0xF7A;
	s5 =	simm.s32 @!p2 $0x0  }
0x1d: {  	s5 =	simm.s32 @p1 $0x1;
	p0 =	seq.s32 s7, s2  }
0x1e: {  	s7 =	smul.u32 @!p0 $0xF7A, s2;
	p2 =	seq.s32 @!p0 s5, $0x0  }
0x1f: {  	s9 =	smul.u32 $0xF7A, s1;
	s8 =	simm.s32 @!p0 $0x1BF5;
	p2 =	por !p2, p0  }
0x20: {  	[sflag:s8] =	ssyncset.s32 @!p0 $0xFFFFF086;
	s6 =	sadd.s32 @!p0 s3, s7;
	s7 =	simm.s32 @!p0 $0x108  }
0x21: {  	s3 =	sadd.s32 s3, s9;
	s6 =	sadd.s32 @!p0 $0x88, s6;
	s7 =	simm.s32 @p2 $0x1082  }
0x22: {  	[simem:s7], [sflag:s8] =	dma.local @!p0 [hbm:s6], $0xF7A  }
0x23: {  	s9 =	sor.u32 $0xD0000000, s2;
	s6 =	simm.s32 $0x108;
	_ =	swait.ge @!p0 [sflag:s8], $0x0  }
0x24: {  	s3 =	sadd.s32 $0x88, s3;
	s6 =	simm.s32 @!p1 $0x1082;
	[sflag:s4] =	ssyncset.s32 $0xFFFFF086  }
0x25: {  	[simem:s6], [sflag:s4] =	dma.local [hbm:s3], $0xF7A  }
0x26: {  	[smem:$0x3F9A] =	sst s1;
	(tag) =	ssettag s2;
	_ =	strace s9  }
0x27: {  	s1 =	sld [smem:$0x3FAA]  }
0x28: {  	s2 =	sld [smem:$0x3FAB]  }
0x29: {  	s4 =	sld [smem:$0x3FAD]  }
0x2a: {  	p0 =	seq.s32 s5, $0x0;
	s5 =	sld [smem:$0x3FAE]  }
0x2b: {  	s6 =	sld [smem:$0x3FAF]  }
0x2c: {  	s7 =	sld [smem:$0x3FB0]  }
0x2d: {  	s3 =	simm.s32 $0x108;
	s8 =	sld [smem:$0x3FB1]  }
0x2e: {  	s3 =	simm.s32 @!p0 $0x1082;
	s9 =	sld [smem:$0x3FB2]  }
0x2f: {  	lr =	sadd.s32 s0, s3;
	s0 =	sld [smem:$0x3FA9]  }
0x30: {  	s3 =	sld [smem:$0x3FAC]  }
0x31: {  	[smem:$0x3FB5] =	sst s10  }
0x32: {  	s10 =	sld [smem:$0x3FB3];
	_ =	sdelay $0x3  }
0x33: {  	p0 =	seq.s32 s10, $0x1;
	s10 =	sld [smem:$0x3FB5];
	_ =	sdelay $0x3  }
0x34: {  	[smem:$0x3FB5] =	sst s10  }
0x35: {  	s10 =	sld [smem:$0x3FB4];
	_ =	sdelay $0x3  }
0x36: {  	p1 =	seq.s32 s10, $0x1;
	s10 =	sld [smem:$0x3FB5];
	_ =	sdelay $0x3  }
0x37: {  	[smem:$0x3FB5] =	sst s10  }
0x38: {  	s10 =	sld [smem:$0x3FB6]  }
0x39: {  	_ = 	snop;
	(pc) =	sbr.ind lr, $3  }
0x3a: {  	_ = 	snop  }
0x3b: {  	_ = 	snop  }
0x3c: {  	p2 =	seq.s32 s10, $0x1;
	s10 =	sld [smem:$0x3FB5]  }
0x3d: {  	_ =	shalt  }
0x3e: {  	_ =	shalt  }
0x3f: {  	_ =	shalt  }
0x40: {  	_ =	shalt  }
0x41: {  	_ =	shalt  }
0x42: {  	_ =	shalt  }
0x43: {  	_ =	shalt  }
0x44: {  	_ =	shalt  }
0x45: {  	_ =	shalt  }
0x46: {  	_ =	shalt  }
0x47: {  	_ =	shalt  }
0x48: {  	_ =	shalt  }
0x49: {  	_ =	shalt  }
0x4a: {  	_ =	shalt  }
0x4b: {  	_ =	shalt  }
0x4c: {  	_ =	shalt  }
0x4d: {  	_ =	shalt  }
0x4e: {  	_ =	shalt  }
0x4f: {  	_ =	shalt  }
0x50: {  	_ =	shalt  }
0x51: {  	_ =	shalt  }
0x52: {  	_ =	shalt  }
0x53: {  	_ =	shalt  }
0x54: {  	_ =	shalt  }
0x55: {  	_ =	shalt  }
0x56: {  	_ =	shalt  }
0x57: {  	_ =	shalt  }
0x58: {  	_ =	shalt  }
0x59: {  	_ =	shalt  }
0x5a: {  	_ =	shalt  }
0x5b: {  	_ =	shalt  }
0x5c: {  	_ =	shalt  }
0x5d: {  	_ =	shalt  }
0x5e: {  	_ =	shalt  }
0x5f: {  	_ =	shalt  }
0x60: {  	_ =	shalt  }
0x61: {  	_ =	shalt  }
0x62: {  	_ =	shalt  }
0x63: {  	_ =	shalt  }
0x64: {  	_ =	shalt  }
0x65: {  	_ =	shalt  }
0x66: {  	_ =	shalt  }
0x67: {  	_ =	shalt  }
0x68: {  	_ =	shalt  }
0x69: {  	_ =	shalt  }
0x6a: {  	_ =	shalt  }
0x6b: {  	_ =	shalt  }
0x6c: {  	_ =	shalt  }
0x6d: {  	_ =	shalt  }
0x6e: {  	_ =	shalt  }
0x6f: {  	_ =	shalt  }
0x70: {  	_ =	shalt  }
0x71: {  	_ =	shalt  }
0x72: {  	_ =	shalt  }
0x73: {  	_ =	shalt  }
0x74: {  	_ =	shalt  }
0x75: {  	_ =	shalt  }
0x76: {  	_ =	shalt  }
0x77: {  	_ =	shalt  }
0x78: {  	_ =	shalt  }
0x79: {  	_ =	shalt  }
0x7a: {  	_ =	shalt  }
0x7b: {  	_ =	shalt  }
0x7c: {  	_ =	shalt  }
0x7d: {  	_ =	shalt  }
0x7e: {  	_ =	shalt  }
0x7f: {  	_ =	shalt  }
0x80: {  	_ =	shalt  }
0x81: {  	_ =	shalt  }
0x82: {  	_ =	shalt  }
0x83: {  	_ =	shalt  }
0x84: {  	_ =	shalt  }
0x85: {  	_ =	shalt  }
0x86: {  	_ =	shalt  }
0x87: {  	_ =	shalt  }
.Lfunc_end0:
.L_simem_size_0:
called_computation.1_lowered:
.L_overlay_start_0:
0x88: {  	s2 =	sld [smem:$0x3FD9]  }
0x89: {  	s3 =	sld [smem:$0x3FFE];
	_ =	sdelay $0x1  }
0x8a: {  	s1 =	srdreg.scid  }
0x8b: {  	s0 =	sand.u32 $0x1, s1  }
0x8c: {  	s17 =	sshll.u32 s0, $0xA;
	s2 =	sadd.s32 s3, s2  }
0x8d: {  	s2 =	sadd.s32 s2, s17  }
0x8e: {  	[smem:$0x3FC1] =	sst s2  }
0x8f: {  	_ = 	snop  }
0x90: {  	s2 =	sld [smem:$0x3FD0];
	(tm) =	ssettm $0x1  }
0x91: {  	s18 =	sld [smem:$0x3FFB];
	_ =	sdelay $0x3  }
0x92: {  	_ =	strace s18  }
0x93: {  	s3 =	sld [smem:$0x3FFC];
	_ =	sdelay $0x3  }
0x94: {  	_ =	strace s3  }
0x95: {  	s3 =	sld [smem:$0x3FFD];
	_ =	sdelay $0x3  }
0x96: {  	_ =	strace s3  }
0x97: {  	_ =	strace $0x8FFFFFFF  }
0x98: {  	s19 =	sld [smem:$0x3FDB];
	_ =	sdelay $0x1  }
0x99: {  	s4 =	simm.s32 $_scs_section_size  }
0x9a: {  	s5 =	simm.s32 $_size__tile_overlayer_lowered;
	s6 =	simm.s32 $_tile_overlayer_lowered  }
0x9b: {  	s22 =	simm.s32 $0x1BFF;
	s21 =	sshll.u32 s6, $0x1;
	s3 =	sadd.s32 s4, s19  }
0x9c: {  	s7 =	simm.s32 $0x0;
	s20 =	sshll.u32 s5, $0x1;
	s5 =	sadd.s32 s21, s3  }
0x9d: {  	[timem:s7], [sflag:s22] =	dma.local [hbm:s5], s20  }
0x9e: {  	_ =	swait.ge [sflag:s22], s20  }
0x9f: {  	s4 =	ssub.s32 $0x0, s20;
	[sflag:s22] =	ssyncset.done $0x0  }
0xa0: {  	[sflag:s22] =	ssyncadd.s32 s4;
	_ =	sdelay $0x1  }
0xa1: {  	s23 =	simm.s32 $0x1B8B  }
0xa2: {  	_ =	swait.ge [sflag:s23], $0x1  }
0xa3: {  	[sflag:s23] =	ssyncset.done $0x0  }
0xa4: {  	s25 =	simm.s32 $0x1B8E;
	s24 =	sld [smem:$0x3FFE];
	[sflag:s23] =	ssyncadd.s32 $0xFFFFFFFF  }
0xa5: {  	s26 =	simm.s32 $execute0_lowered;
	[smem:$0x3FD2] =	sst s25  }
0xa6: {  	s5 =	sshll.u32 s26, $0x1;
	_ =	strace $0x80000049;
	[dreg:$0x1] =	wrdreg $0xFFFFFFFF  }
0xa7: {  	s28 =	simm.s32 $_size_execute0_lowered;
	s3 =	sadd.s32 s3, s5;
	[dreg:$0x0] =	wrdreg $0x0  }
0xa8: {  	s5 =	sshll.u32 s28, $0x1;
	[dreg:$0x2] =	wrdreg s3  }
0xa9: {  	[dreg:$0x3] =	wrdreg s5  }
0xaa: {  	[dreg:$0x4] =	wrdreg $0xC0  }
0xab: {  	_ =	task [dreg:s7], $0x5FFFF  }
0xac: {  	[dreg:$0x1] =	wrdreg $0xFFFFFFFF  }
0xad: {  	[dreg:$0x0] =	wrdreg $0x60  }
0xae: {  	[dreg:$0x2] =	wrdreg s2  }
0xaf: {  	[dreg:$0x3] =	wrdreg s24  }
0xb0: {  	[dreg:$0x4] =	wrdreg $0x0  }
0xb1: {  	[dreg:$0x5] =	wrdreg $0x138800  }
0xb2: {  	[dreg:$0x6] =	wrdreg $0x9  }
0xb3: {  	_ =	task.clear_ibuf [dreg:s7], $0x7FFFF;
	_ =	strace $0x90000049  }
0xb4: {  	s29 =	simm.s32 $0x9;
	_ =	strace $0x8000004B  }
0xb5: {  	_ =	swait.ge [sflag:s29], $0x1  }
0xb6: {  	[sflag:s29] =	ssyncadd.s32 $0xFFFFFFFF  }
0xb7: {  	_ =	strace $0x9000004B  }
0xb8: {  	_ =	sfence  }
0xb9: {  	s30 =	sld [smem:$0x0];
	_ =	sdelay $0x2  }
0xba: {  	s31 =	sshll.u32 s1, $0xD;
	s1 =	sshrl.u32 s1, $0x2  }
0xbb: {  	s3 =	sand.u32 $0x4000, s31;
	s1 =	sadd.s32 s1, s30  }
0xbc: {  	s0 =	sor.u32 s3, s0;
	s1 =	sshll.u32 s1, $0x11  }
0xbd: {  	s0 =	sor.u32 s1, s0  }
0xbe: {  	s0 =	sadd.s32 $0x8F2B, s0  }
0xbf: {  	[sflag:s0] =	ssyncadd.remote.s32 $0x1  }
0xc0: {  	_ =	sfence.sel $0xFFFF  }
0xc1: {  	[dreg:$0x0] =	wrdreg $0xFFFFFFFF;
	(pc) =	sbr.abs _section_cstart, $3  }
0xc2: {  	[dreg:$0x1] =	wrdreg $0xFFFFFFFF  }
0xc3: {  	_ =	task.clear_ibuf [dreg:s7], $0x2FFFF;
	_ =	strace $0x9FFFFFFF  }
0xc4: {  	(tm) =	ssettm $0x7FFFFFFF  }
0xc5: {  	_ =	shalt  }
tec
execute0_lowered:
.L_overlay_start_1:
0x0: {  	(tag) =	ssettag $0x1  }
0x1: {  	s1 =	rddreg [dreg:$0x0]  }
0x2: {  	s0 =	rddreg [dreg:$0x1]  }
0x3: {  	s2 =	rddreg [dreg:$0x2]  }
0x4: {  	s4 =	rddreg [dreg:$0x3];
	s20 =	stileid.u32  }
0x5: {  	s5 =	simm.s32 $0x0;
	s6 =	srdreg.scid;
	s3 =	smul.u32 $0x2700, s20  }
0x6: {  	s28 =	simm.s32 $0x80;
	s29 =	simm.s32 $0x13C80;
	s9 =	smul.u32 $0x280, s20  }
0x7: {  	s30 =	simm.s32 $0x1;
	s31 =	simm.s32 $0x1BC80;
	s14 =	smul.u32 $0x4E000, s20  }
0x8: {  	[smem:$0x7FF] =	sst s5;
	s10 =	sand.u32 $0x1, s6;
	s16 =	smul.u32 $0x4E, s20  }
0x9: {  	s6 =	sadd.s32 $0x4F8200, s0;
	s7 =	sadd.s32 $0xC400, s0;
	s22 =	smul.u32 $0x13800, s20  }
0xa: {  	s8 =	sadd.s32 $0x2600, s0;
	s15 =	sadd.s32 $0x3E400, s0;
	s11 =	smul.u32 $0x2800, s10  }
0xb: {  	s19 =	sadd.s32 $0x124800, s2;
	p0 =	slt.u32 s20, $0x2;
	s26 =	smul.u32 $0x4E2, s10  }
0xc: {  	_ =	strace $0x8000004A;
	s13 =	ssub.s32 $0x2, s10;
	s18 =	smul.u32 $0x138800, s10  }
0xd: {  	s12 =	sshrl.u32 s9, $0x3;
	s3 =	sadd.s32 s3, s0;
	s24 =	sshrl.u32 s13, $0x1  }
0xe: {  	s25 =	sshrl.u32 s14, $0x2;
	s12 =	sadd.s32 s12, s0;
	s11 =	sadd.s32 s9, s11  }
0xf: {  	s13 =	ssub.s32 s13, s24;
	s21 =	sadd.s32 s25, s2;
	s3 =	sadd.s32 $0x16200, s3  }
0x10: {  	s9 =	sadd.s32 s9, s4;
	s24 =	sadd.s32 s16, s26;
	s25 =	smin.u32 s20, $0x2  }
0x11: {  	s26 =	sshll.u32 s20, $0x6;
	s11 =	sshrl.u32 s11, $0x3;
	[dreg:$0x5] =	wrdreg s3  }
0x12: {  	[dreg:$0x7] =	wrdreg s9;
	s23 =	sadd.s32 $0x3D400, s12;
	s3 =	sadd.s32 s22, s18  }
0x13: {  	s14 =	sadd.s32 s25, s24;
	s22 =	sor.u32 $0x1C02, s26;
	s24 =	simm.s32 $0x13B00  }
0x14: {  	s25 =	simm.s32 $0x13B80;
	s26 =	simm.s32 $0x17C80;
	s17 =	sadd.s32 s11, s0  }
0x15: {  	s0 =	sadd.s32 $0x3AB00, s0;
	s11 =	simm.s32 $0x4F;
	[dreg:$0x8] =	wrdreg s23  }
0x16: {  	s3 =	sshrl.u32 s3, $0x3;
	s23 =	simm.s32 $0x2;
	[dreg:$0x6] =	wrdreg s0  }
0x17: {  	s11 =	simm.s32 @!p0 $0x4E;
	s0 =	sshrl.u32 s18, $0x3;
	s3 =	sadd.s32 s15, s3  }
0x18: {  	s17 =	sadd.s32 $0x3DA00, s17;
	s18 =	smax.u32 s13, $0x1;
	p0 =	seq.s32 s20, $0xF  }
0x19: {  	s0 =	sadd.s32 s15, s0;
	[dreg:$0x9] =	wrdreg s3;
	s19 =	sshrl.u32 @p0 s19, $0x3  }
0x1a: {  	s21 =	sshrl.u32 @!p0 s21, $0x3;
	s16 =	sadd.s32 $0x24900, s0;
	s0 =	sshll.u32 @!p0 s20, $0x6  }
0x1b: {  	v0 =	vimm.f32 $1.000000000e+00;
	s15 =	simm.s32 $0x0;
	s20 =	sor.u32 @!p0 $0x1C02, s0;
	s0 =	simm.s32 $0x13C00  }
.LBB2_1:
0x1c: {  	s3 =	simm.s32 @p0 $0x1FC2;
	s9 =	rddreg [dreg:$0x6]  }
0x1d: {  	[spmem:s19], [sflag:s3] =	dma.local @p0 [hbm:s9], $0x2800  }
0x1e: {  	s3 =	simm.s32 @p0 $0x2  }
0x1f: {  	_ =	swait.ge @p0 [sflag:s3], $0x2800  }
0x20: {  	[sflag:s3] =	ssyncset.done @p0 $0x0  }
0x21: {  	[sflag:s3] =	ssyncadd.s32 @p0 $0xFFFFD800;
	s3 =	rddreg [dreg:$0x5]  }
0x22: {  	[spmem:s21], [sflag:s20] =	dma.local @!p0 [hbm:s3], $0x2700  }
0x23: {  	s3 =	simm.s32 @!p0 $0x2  }
0x24: {  	_ =	swait.ge @!p0 [sflag:s3], $0x2700  }
0x25: {  	[sflag:s3] =	ssyncset.done @!p0 $0x0;
	s12 =	rddreg [dreg:$0x7]  }
0x26: {  	s13 =	rddreg [dreg:$0x8];
	[sflag:s3] =	ssyncadd.s32 @!p0 $0xFFFFD900;
	s3 =	sshrl.u32 s12, $0x3  }
0x27: {  	[spmem:s3], [sflag:s22] =	dma.local [hbm:s13], $0x50  }
0x28: {  	_ =	swait.ge [sflag:s23], $0x50  }
0x29: {  	[sflag:s23] =	ssyncset.done $0x0  }
0x2a: {  	[sflag:s23] =	ssyncadd.s32 $0xFFFFFFB0  }
0x2b: {  	[tilespmem:$0x13C00] =	vst v0  }
0x2c: {  	[tilespmem:$0x13C10] =	vst v0  }
0x2d: {  	[tilespmem:$0x13C20] =	vst v0  }
0x2e: {  	[tilespmem:$0x13C30] =	vst v0  }
0x2f: {  	[tilespmem:$0x13C40] =	vst v0  }
0x30: {  	[tilespmem:$0x13C50] =	vst v0  }
0x31: {  	[tilespmem:$0x13C60] =	vst v0  }
0x32: {  	[tilespmem:$0x13C70] =	vst v0  }
0x33: {  	s9 =	simm.s32 $0x0;
	[bflag:$0x0] =	sbarrier.arrive $0xFFFF  }
.LBB2_2:
0x34: {  	s10 =	sadd.s32 s9, s14  }
0x35: {  	s12 =	sshll.u32 s10, $0x4  }
0x36: {  	s12 =	sand.u32 $0x1FFFFFF0, s12  }
0x37: {  	s13 =	sadd.s32 s7, s12  }
0x38: {  	[tilespmem:s24], [sflag:$0x2] =	stream.linear.gather [hbm4b:s13+s15], $0x80, $0x38;
	[tilespmem:$0x1FC80] =	vst v63  }
0x39: {  	_ =	swait.ge [sflag:s23], $0x80  }
0x3a: {  	[sflag:s23] =	ssyncset.done $0x0  }
0x3b: {  	s12 =	sadd.s32 s8, s12;
	[sflag:s23] =	ssyncadd.s32 $0xFFFFFF80  }
0x3c: {  	[tilespmem:s25], [sflag:$0x2] =	stream.linear.gather [hbm4b:s12+s15], $0x80, $0x38;
	[tilespmem:$0x1FC80] =	vst v63  }
0x3d: {  	s10 =	sshll.u32 s10, $0xB;
	_ =	swait.ge [sflag:s23], $0x80  }
0x3e: {  	s10 =	sand.u32 $0x1FFFF800, s10;
	[sflag:s23] =	ssyncset.done $0x0  }
0x3f: {  	s10 =	sadd.s32 s6, s10;
	[sflag:s23] =	ssyncadd.s32 $0xFFFFFF80  }
0x40: {  	[tilespmem:s26], [sflag:$0x2] =	stream.linear.gather [hbm4b:s10+s15], $0x4000, $0x38;
	[tilespmem:$0x1FC80] =	vst v63  }
0x41: {  	_ =	swait.ge [sflag:s23], $0x4000  }
0x42: {  	[sflag:s23] =	ssyncset.done $0x0  }
0x43: {  	[sflag:s23] =	ssyncadd.s32 $0xFFFFC000  }
0x44: {  	[tilespmem:s29], [sflag:$0x1] =	stream.indirect.gather [hbm4b:s1+s28], $0x80, s24, s28, $0xb8;
	[tilespmem:$0x1FC80] =	vst v63  }
0x45: {  	_ =	swait.ge [sflag:s30], $0x4000  }
0x46: {  	[sflag:s30] =	ssyncset.done $0x0  }
0x47: {  	s10 =	simm.s32 $0x0;
	[sflag:s30] =	ssyncadd.s32 $0xFFFFC000  }
0x48: {  	v1 =	vld [tilespmem:s10+$0x13CF0]  }
0x49: {  	v2 =	vld [tilespmem:s10+$0x17CF0]  }
0x4a: {  	v3 =	vld [tilespmem:s10+$0x13C80]  }
0x4b: {  	v4 =	vld [tilespmem:s10+$0x17C80]  }
0x4c: {  	v5 =	vld [tilespmem:s10+$0x13C90]  }
0x4d: {  	v6 =	vld [tilespmem:s10+$0x17C90]  }
0x4e: {  	v7 =	vld [tilespmem:s10+$0x13CA0]  }
0x4f: {  	v8 =	vld [tilespmem:s10+$0x13CB0]  }
0x50: {  	v1 =	vmul.f32 v2, v1;
	v2 =	vld [tilespmem:s10+$0x17CA0]  }
0x51: {  	v9 =	vld [tilespmem:s10+$0x17CB0]  }
0x52: {  	v10 =	vld [tilespmem:s10+$0x17CC0];
	v3 =	vmul.f32 v4, v3  }
0x53: {  	[tilespmem:s10+$0x1BCF0] =	vst v1;
	v1 =	vmul.f32 v6, v5;
	v6 =	vld [tilespmem:s10+$0x13CC0]  }
0x54: {  	v4 =	vld [tilespmem:s10+$0x17CD0];
	[tilespmem:s10+$0x1BC80] =	vst v3  }
0x55: {  	v3 =	vld [tilespmem:s10+$0x13CD0];
	[tilespmem:s10+$0x1BC90] =	vst v1;
	v1 =	vmul.f32 v2, v7  }
0x56: {  	v5 =	vld [tilespmem:s10+$0x17CE0];
	v7 =	vmul.f32 v9, v8  }
0x57: {  	s12 =	simm.s32 $0x80;
	[tilespmem:s10+$0x1BCA0] =	vst v1;
	v1 =	vld [tilespmem:s10+$0x13CE0]  }
0x58: {  	s13 =	simm.s32 $0x400;
	v6 =	vmul.f32 v10, v6;
	v2 =	vld [tilespmem:s12+$0x13CF0];
	[tilespmem:s10+$0x1BCB0] =	vst v7  }
.LBB2_3:
0x59: {  	p1 =	sne.s32 s13, $0xFE00;
	v7 =	vld [tilespmem:s12+$0x17CF0]  }
0x5a: {  	v8 =	vld [tilespmem:s12+$0x13C80];
	[tilespmem:s10+$0x1BCC0] =	vst v6;
	v3 =	vmul.f32 v4, v3  }
0x5b: {  	v4 =	vld [tilespmem:s12+$0x17C80]  }
0x5c: {  	v6 =	vld [tilespmem:s12+$0x13C90];
	[tilespmem:s10+$0x1BCD0] =	vst v3;
	v1 =	vmul.f32 v5, v1  }
0x5d: {  	v3 =	vld [tilespmem:s12+$0x17C90]  }
0x5e: {  	v5 =	vld [tilespmem:s12+$0x13CA0];
	v2 =	vmul.f32 v7, v2;
	[tilespmem:s10+$0x1BCE0] =	vst v1;
	s10 =	smov.u32 s12  }
0x5f: {  	v1 =	vld [tilespmem:s10+$0x17CA0]  }
0x60: {  	v4 =	vmul.f32 v4, v8;
	v7 =	vld [tilespmem:s10+$0x13CB0];
	[tilespmem:s10+$0x1BCF0] =	vst v2  }
0x61: {  	v2 =	vld [tilespmem:s10+$0x17CB0]  }
0x62: {  	[tilespmem:s10+$0x1BC80] =	vst v4;
	v3 =	vmul.f32 v3, v6;
	v6 =	vld [tilespmem:s10+$0x13CC0]  }
0x63: {  	v8 =	vld [tilespmem:s10+$0x17CC0]  }
.Ltmp0:
0x64: {  	[tilespmem:s10+$0x1BC90] =	vst v3;
	v1 =	vmul.f32 v1, v5;
	v3 =	vld [tilespmem:s10+$0x13CD0];
	(pc) =	sbr.rel @p1 .LBB2_3-.Ltmp0, $4  }
0x65: {  	v4 =	vld [tilespmem:s10+$0x17CD0]  }
0x66: {  	[tilespmem:s10+$0x1BCA0] =	vst v1;
	v7 =	vmul.f32 v2, v7;
	v1 =	vld [tilespmem:s10+$0x13CE0]  }
0x67: {  	s12 =	sshra.s32 s13, $0x2;
	v5 =	vld [tilespmem:s10+$0x17CE0]  }
0x68: {  	s13 =	sadd.s32 $0x200, s13;
	v2 =	vld [tilespmem:s12+$0x13CF0];
	[tilespmem:s10+$0x1BCB0] =	vst v7;
	v6 =	vmul.f32 v8, v6  }
0x69: {  	v7 =	vld [tilespmem:s12+$0x17CF0]  }
0x6a: {  	v8 =	vld [tilespmem:s12+$0x13C80];
	[tilespmem:s10+$0x1BCC0] =	vst v6;
	v3 =	vmul.f32 v4, v3  }
0x6b: {  	v57 =	vld [tilespmem:s12+$0x17C80]  }
0x6c: {  	v6 =	vld [tilespmem:s12+$0x13C90];
	[tilespmem:s10+$0x1BCD0] =	vst v3;
	v1 =	vmul.f32 v5, v1  }
0x6d: {  	v3 =	vld [tilespmem:s12+$0x17C90]  }
0x6e: {  	v58 =	vld [tilespmem:s12+$0x13CA0];
	[tilespmem:s10+$0x1BCE0] =	vst v1  }
0x6f: {  	v1 =	vmul.f32 v7, v2;
	v2 =	vld [tilespmem:s12+$0x17CA0]  }
0x70: {  	v59 =	vld [tilespmem:s12+$0x13CB0]  }
0x71: {  	v60 =	vld [tilespmem:s12+$0x13CC0]  }
0x72: {  	v61 =	vld [tilespmem:s12+$0x17CC0]  }
0x73: {  	v62 =	vld [tilespmem:s12+$0x17CD0]  }
0x74: {  	[tilespmem:s12+$0x1BCF0] =	vst v1;
	v1 =	vld [tilespmem:s12+$0x17CB0];
	v3 =	vmul.f32 v3, v6  }
0x75: {  	v63 =	vld [tilespmem:s12+$0x17CE0];
	v2 =	vmul.f32 v2, v58  }
0x76: {  	[tilespmem:s12+$0x1BC90] =	vst v3;
	v3 =	vld [tilespmem:s12+$0x13CD0]  }
0x77: {  	[tilespmem:s12+$0x1BCA0] =	vst v2;
	v2 =	vld [tilespmem:s12+$0x13CE0]  }
0x78: {  	v4 =	vmul.f32 v57, v8  }
0x79: {  	v1 =	vmul.f32 v1, v59  }
0x7a: {  	[tilespmem:s12+$0x1BC80] =	vst v4;
	v4 =	vmul.f32 v61, v60  }
0x7b: {  	[tilespmem:s12+$0x1BCB0] =	vst v1;
	v1 =	vmul.f32 v62, v3  }
0x7c: {  	[tilespmem:s12+$0x1BCC0] =	vst v4;
	v2 =	vmul.f32 v63, v2  }
0x7d: {  	[tilespmem:s12+$0x1BCD0] =	vst v1  }
0x7e: {  	[tilespmem:s12+$0x1BCE0] =	vst v2  }
0x7f: {  	[spmem:s2] =	stream.indirect.scatter.add.f32 [tilespmem:s31], [sflag:$0x2], $0x80, s25, s28, $0xb8;
	[tilespmem:$0x1FC80] =	vst v63  }
0x80: {  	s9 =	sadd.s32 $0x1, s9;
	_ =	swait.ge [sflag:s23], $0x4000  }
0x81: {  	p1 =	sne.s32 s9, s11;
	[sflag:s23] =	ssyncset.done $0x0  }
.Ltmp1:
0x82: {  	[sflag:s23] =	ssyncadd.s32 $0xFFFFC000;
	(pc) =	sbr.rel @p1 .LBB2_2-.Ltmp1, $4  }
0x83: {  	[spmem:s4] =	stream.indirect.scatter.add.f32 [tilespmem:s0], [sflag:$0x2], $0x1, s25, s28, $0xb8;
	[tilespmem:$0x1FC80] =	vst v63  }
0x84: {  	_ =	swait.ge [sflag:s23], $0x80  }
0x85: {  	[sflag:s23] =	ssyncset.done $0x0  }
0x86: {  	[sflag:s23] =	ssyncadd.s32 $0xFFFFFF80  }
0x87: {  	[bflag:$0x0] =	sbarrier.arrive $0xFFFF;
	s9 =	simm.s32 @p0 $0x2  }
0x88: {  	[hbm:s16], [sflag:s22] =	dma.local @p0 [spmem:s19], $0x2800  }
0x89: {  	_ =	swait.ge @p0 [sflag:s9], $0x2800  }
0x8a: {  	[sflag:s9] =	ssyncset.done @p0 $0x0  }
0x8b: {  	[sflag:s9] =	ssyncadd.s32 @p0 $0xFFFFD800;
	s9 =	rddreg [dreg:$0x9]  }
0x8c: {  	[hbm:s9], [sflag:s22] =	dma.local @!p0 [spmem:s21], $0x2700  }
0x8d: {  	s9 =	simm.s32 @!p0 $0x2  }
0x8e: {  	s5 =	sadd.s32 $0x1, s5;
	_ =	swait.ge @!p0 [sflag:s9], $0x2700  }
0x8f: {  	p1 =	sne.s32 s5, s18;
	[sflag:s9] =	ssyncset.done @!p0 $0x0  }
.Ltmp2:
0x90: {  	[sflag:s9] =	ssyncadd.s32 @!p0 $0xFFFFD900;
	(pc) =	sbr.rel @p1 .LBB2_1-.Ltmp2, $4  }
0x91: {  	[hbm:s17], [sflag:s22] =	dma.local [spmem:s3], $0x50  }
0x92: {  	_ =	swait.ge [sflag:s23], $0x50  }
0x93: {  	[sflag:s23] =	ssyncset.done $0x0  }
0x94: {  	[sflag:s23] =	ssyncadd.s32 $0xFFFFFFB0  }
0x95: {  	_ =	sfence.sel $0x180000  }
0x96: {  	[bflag:$0x0] =	sbarrier.arrive $0xFFFF  }
0x97: {  	_ =	strace $0x9000004A  }
0x98: {  	s0 =	stileid.u32;
	[bflag:$0x2] =	sbarrier.arrive $0xFFFF  }
0x99: {  	p0 =	sne.s32 s0, $0x0;
	s0 =	rddreg [dreg:$0x4]  }
0x9a: {  	s0 =	sadd.s32 @!p0 $0x100000, s0  }
0x9b: {  	[sflag:s0] =	ssyncadd.tile.s32 @!p0 $0x1;
	_ =	shalt  }
.Lfunc_end2:
_tile_overlayer_lowered:
.L_overlay_start_2:
0x9c: {  	(tag) =	ssettag $0x2  }
0x9d: {  	s0 =	rddreg [dreg:$0x0];
	s2 =	stileid.u32  }
0x9e: {  	s1 =	rddreg [dreg:$0x1];
	p0 =	sne.s32 s2, $0x0  }
0x9f: {  	s3 =	rddreg [dreg:$0x2];
	[bflag:$0x3] =	sbarrier.arrive $0xFFFF;
	s2 =	simm.s32 @!p0 $0x1C02  }
0xa0: {  	[timem:s3], [sflag:s2] =	dma.local @!p0 [hbm:s0], s1  }
0xa1: {  	s0 =	simm.s32 @!p0 $0x2  }
0xa2: {  	_ =	swait.ge @!p0 [sflag:s0], s1  }
0xa3: {  	s1 =	ssub.s32 @!p0 $0x0, s1;
	[sflag:s0] =	ssyncset.done @!p0 $0x0  }
0xa4: {  	[sflag:s0] =	ssyncadd.s32 @!p0 s1  }
0xa5: {  	[bflag:$0x3] =	sbarrier.arrive $0xFFFF  }
0xa6: {  	_ =	shalt  }

// kernel: kernel.8.cloned.1.call-start
scs
__scs_entry_jumppad:
0x0: {  	(pc) =	sbr.rel $0x88, $3  }
0x1: {  	(tag) =	ssettag $0x0;
	lr =	simm.s32 $0x1  }
0x2: {  	[smem:$0x3F9A] =	sst lr;
	_ =	strace $0xD0000000  }
0x3: {  	_ = 	snop  }
0x4: {  	_ = 	snop  }
0x5: {  	_ = 	snop  }
0x6: {  	_ = 	snop  }
0x7: {  	_ = 	snop  }
__scs_overlays_trampoline_lowered:
0x8: {  	[smem:$0x3FA9] =	sst s0  }
0x9: {  	[smem:$0x3FAA] =	sst s1  }
0xa: {  	[smem:$0x3FAB] =	sst s2  }
0xb: {  	[smem:$0x3FAC] =	sst s3  }
0xc: {  	[smem:$0x3FAD] =	sst s4  }
0xd: {  	[smem:$0x3FAE] =	sst s5  }
0xe: {  	[smem:$0x3FAF] =	sst s6  }
0xf: {  	[smem:$0x3FB0] =	sst s7  }
0x10: {  	[smem:$0x3FB1] =	sst s8  }
0x11: {  	[smem:$0x3FB2] =	sst s9;
	s0 =	simm.s32 @!p0 $0x0  }
0x12: {  	s1 =	sld [smem:$0x3F98];
	s0 =	simm.s32 @p0 $0x1  }
0x13: {  	[smem:$0x3FB3] =	sst s0;
	s0 =	simm.s32 @!p1 $0x0  }
0x14: {  	s2 =	sld [smem:$0x3F97];
	s0 =	simm.s32 @p1 $0x1  }
0x15: {  	[smem:$0x3FB4] =	sst s0;
	s0 =	simm.s32 @!p2 $0x0  }
0x16: {  	s3 =	sld [smem:$0x3FDB];
	s0 =	simm.s32 @p2 $0x1  }
0x17: {  	s4 =	simm.s32 $0x1BF5;
	[smem:$0x3FB6] =	sst s0  }
0x18: {  	s0 =	sld [smem:$0x3F99];
	_ =	swait.ge [sflag:s4], $0x0  }
0x19: {  	s7 =	sld [smem:$0x3F9A]  }
0x1a: {  	s8 =	sadd.s32 $0xFFFFE003, lr  }
0x1b: {  	s9 =	sadd.s32 $0xFFFFFEF7, lr;
	s5 =	simm.s32 $0xFFFFFFFF;
	p2 =	slt.u32 s8, $0xFFFFF086  }
0x1c: {  	p1 =	slt.u32 s9, $0xF7A;
	s5 =	simm.s32 @!p2 $0x0  }
0x1d: {  	s5 =	simm.s32 @p1 $0x1;
	p0 =	seq.s32 s7, s2  }
0x1e: {  	s7 =	smul.u32 @!p0 $0xF7A, s2;
	p2 =	seq.s32 @!p0 s5, $0x0  }
0x1f: {  	s9 =	smul.u32 $0xF7A, s1;
	s8 =	simm.s32 @!p0 $0x1BF5;
	p2 =	por !p2, p0  }
0x20: {  	[sflag:s8] =	ssyncset.s32 @!p0 $0xFFFFF086;
	s6 =	sadd.s32 @!p0 s3, s7;
	s7 =	simm.s32 @!p0 $0x108  }
0x21: {  	s3 =	sadd.s32 s3, s9;
	s6 =	sadd.s32 @!p0 $0x88, s6;
	s7 =	simm.s32 @p2 $0x1082  }
0x22: {  	[simem:s7], [sflag:s8] =	dma.local @!p0 [hbm:s6], $0xF7A  }
0x23: {  	s9 =	sor.u32 $0xD0000000, s2;
	s6 =	simm.s32 $0x108;
	_ =	swait.ge @!p0 [sflag:s8], $0x0  }
0x24: {  	s3 =	sadd.s32 $0x88, s3;
	s6 =	simm.s32 @!p1 $0x1082;
	[sflag:s4] =	ssyncset.s32 $0xFFFFF086  }
0x25: {  	[simem:s6], [sflag:s4] =	dma.local [hbm:s3], $0xF7A  }
0x26: {  	[smem:$0x3F9A] =	sst s1;
	(tag) =	ssettag s2;
	_ =	strace s9  }
0x27: {  	s1 =	sld [smem:$0x3FAA]  }
0x28: {  	s2 =	sld [smem:$0x3FAB]  }
0x29: {  	s4 =	sld [smem:$0x3FAD]  }
0x2a: {  	p0 =	seq.s32 s5, $0x0;
	s5 =	sld [smem:$0x3FAE]  }
0x2b: {  	s6 =	sld [smem:$0x3FAF]  }
0x2c: {  	s7 =	sld [smem:$0x3FB0]  }
0x2d: {  	s3 =	simm.s32 $0x108;
	s8 =	sld [smem:$0x3FB1]  }
0x2e: {  	s3 =	simm.s32 @!p0 $0x1082;
	s9 =	sld [smem:$0x3FB2]  }
0x2f: {  	lr =	sadd.s32 s0, s3;
	s0 =	sld [smem:$0x3FA9]  }
0x30: {  	s3 =	sld [smem:$0x3FAC]  }
0x31: {  	[smem:$0x3FB5] =	sst s10  }
0x32: {  	s10 =	sld [smem:$0x3FB3];
	_ =	sdelay $0x3  }
0x33: {  	p0 =	seq.s32 s10, $0x1;
	s10 =	sld [smem:$0x3FB5];
	_ =	sdelay $0x3  }
0x34: {  	[smem:$0x3FB5] =	sst s10  }
0x35: {  	s10 =	sld [smem:$0x3FB4];
	_ =	sdelay $0x3  }
0x36: {  	p1 =	seq.s32 s10, $0x1;
	s10 =	sld [smem:$0x3FB5];
	_ =	sdelay $0x3  }
0x37: {  	[smem:$0x3FB5] =	sst s10  }
0x38: {  	s10 =	sld [smem:$0x3FB6]  }
0x39: {  	_ = 	snop;
	(pc) =	sbr.ind lr, $3  }
0x3a: {  	_ = 	snop  }
0x3b: {  	_ = 	snop  }
0x3c: {  	p2 =	seq.s32 s10, $0x1;
	s10 =	sld [smem:$0x3FB5]  }
0x3d: {  	_ =	shalt  }
0x3e: {  	_ =	shalt  }
0x3f: {  	_ =	shalt  }
0x40: {  	_ =	shalt  }
0x41: {  	_ =	shalt  }
0x42: {  	_ =	shalt  }
0x43: {  	_ =	shalt  }
0x44: {  	_ =	shalt  }
0x45: {  	_ =	shalt  }
0x46: {  	_ =	shalt  }
0x47: {  	_ =	shalt  }
0x48: {  	_ =	shalt  }
0x49: {  	_ =	shalt  }
0x4a: {  	_ =	shalt  }
0x4b: {  	_ =	shalt  }
0x4c: {  	_ =	shalt  }
0x4d: {  	_ =	shalt  }
0x4e: {  	_ =	shalt  }
0x4f: {  	_ =	shalt  }
0x50: {  	_ =	shalt  }
0x51: {  	_ =	shalt  }
0x52: {  	_ =	shalt  }
0x53: {  	_ =	shalt  }
0x54: {  	_ =	shalt  }
0x55: {  	_ =	shalt  }
0x56: {  	_ =	shalt  }
0x57: {  	_ =	shalt  }
0x58: {  	_ =	shalt  }
0x59: {  	_ =	shalt  }
0x5a: {  	_ =	shalt  }
0x5b: {  	_ =	shalt  }
0x5c: {  	_ =	shalt  }
0x5d: {  	_ =	shalt  }
0x5e: {  	_ =	shalt  }
0x5f: {  	_ =	shalt  }
0x60: {  	_ =	shalt  }
0x61: {  	_ =	shalt  }
0x62: {  	_ =	shalt  }
0x63: {  	_ =	shalt  }
0x64: {  	_ =	shalt  }
0x65: {  	_ =	shalt  }
0x66: {  	_ =	shalt  }
0x67: {  	_ =	shalt  }
0x68: {  	_ =	shalt  }
0x69: {  	_ =	shalt  }
0x6a: {  	_ =	shalt  }
0x6b: {  	_ =	shalt  }
0x6c: {  	_ =	shalt  }
0x6d: {  	_ =	shalt  }
0x6e: {  	_ =	shalt  }
0x6f: {  	_ =	shalt  }
0x70: {  	_ =	shalt  }
0x71: {  	_ =	shalt  }
0x72: {  	_ =	shalt  }
0x73: {  	_ =	shalt  }
0x74: {  	_ =	shalt  }
0x75: {  	_ =	shalt  }
0x76: {  	_ =	shalt  }
0x77: {  	_ =	shalt  }
0x78: {  	_ =	shalt  }
0x79: {  	_ =	shalt  }
0x7a: {  	_ =	shalt  }
0x7b: {  	_ =	shalt  }
0x7c: {  	_ =	shalt  }
0x7d: {  	_ =	shalt  }
0x7e: {  	_ =	shalt  }
0x7f: {  	_ =	shalt  }
0x80: {  	_ =	shalt  }
0x81: {  	_ =	shalt  }
0x82: {  	_ =	shalt  }
0x83: {  	_ =	shalt  }
0x84: {  	_ =	shalt  }
0x85: {  	_ =	shalt  }
0x86: {  	_ =	shalt  }
0x87: {  	_ =	shalt  }
.Lfunc_end0:
.L_simem_size_0:
called_computation_lowered:
.L_overlay_start_0:
0x88: {  	s2 =	sld [smem:$0x3FD9]  }
0x89: {  	s3 =	sld [smem:$0x3FFE];
	_ =	sdelay $0x1  }
0x8a: {  	s1 =	srdreg.scid  }
0x8b: {  	s0 =	sand.u32 $0x1, s1  }
0x8c: {  	s17 =	sshll.u32 s0, $0xA;
	s2 =	sadd.s32 s3, s2  }
0x8d: {  	s2 =	sadd.s32 s2, s17  }
0x8e: {  	[smem:$0x3FC1] =	sst s2  }
0x8f: {  	_ = 	snop  }
0x90: {  	s2 =	sld [smem:$0x3FD0];
	(tm) =	ssettm $0x1  }
0x91: {  	s18 =	sld [smem:$0x3FFB];
	_ =	sdelay $0x3  }
0x92: {  	_ =	strace s18  }
0x93: {  	s3 =	sld [smem:$0x3FFC];
	_ =	sdelay $0x3  }
0x94: {  	_ =	strace s3  }
0x95: {  	s3 =	sld [smem:$0x3FFD];
	_ =	sdelay $0x3  }
0x96: {  	_ =	strace s3  }
0x97: {  	_ =	strace $0x8FFFFFFF  }
0x98: {  	s19 =	sld [smem:$0x3FDB];
	_ =	sdelay $0x1  }
0x99: {  	s4 =	simm.s32 $_scs_section_size  }
0x9a: {  	s5 =	simm.s32 $_size__tile_overlayer_lowered;
	s6 =	simm.s32 $_tile_overlayer_lowered  }
0x9b: {  	s22 =	simm.s32 $0x1BFF;
	s21 =	sshll.u32 s6, $0x1;
	s3 =	sadd.s32 s4, s19  }
0x9c: {  	s7 =	simm.s32 $0x0;
	s20 =	sshll.u32 s5, $0x1;
	s5 =	sadd.s32 s21, s3  }
0x9d: {  	[timem:s7], [sflag:s22] =	dma.local [hbm:s5], s20  }
0x9e: {  	_ =	swait.ge [sflag:s22], s20  }
0x9f: {  	s4 =	ssub.s32 $0x0, s20;
	[sflag:s22] =	ssyncset.done $0x0  }
0xa0: {  	[sflag:s22] =	ssyncadd.s32 s4;
	_ =	sdelay $0x1  }
0xa1: {  	s23 =	simm.s32 $0x1B8B  }
0xa2: {  	_ =	swait.ge [sflag:s23], $0x1  }
0xa3: {  	[sflag:s23] =	ssyncset.done $0x0  }
0xa4: {  	s25 =	simm.s32 $0x1B8E;
	s24 =	sld [smem:$0x3FFE];
	[sflag:s23] =	ssyncadd.s32 $0xFFFFFFFF  }
0xa5: {  	s26 =	simm.s32 $execute0_lowered;
	[smem:$0x3FD2] =	sst s25  }
0xa6: {  	s5 =	sshll.u32 s26, $0x1;
	_ =	strace $0x80000046;
	[dreg:$0x1] =	wrdreg $0xFFFFFFFF  }
0xa7: {  	s28 =	simm.s32 $_size_execute0_lowered;
	s3 =	sadd.s32 s3, s5;
	[dreg:$0x0] =	wrdreg $0x0  }
0xa8: {  	s5 =	sshll.u32 s28, $0x1;
	[dreg:$0x2] =	wrdreg s3  }
0xa9: {  	[dreg:$0x3] =	wrdreg s5  }
0xaa: {  	[dreg:$0x4] =	wrdreg $0xC0  }
0xab: {  	_ =	task [dreg:s7], $0x5FFFF  }
0xac: {  	[dreg:$0x1] =	wrdreg $0xFFFFFFFF  }
0xad: {  	[dreg:$0x0] =	wrdreg $0x60  }
0xae: {  	[dreg:$0x2] =	wrdreg s2  }
0xaf: {  	[dreg:$0x3] =	wrdreg s24  }
0xb0: {  	[dreg:$0x4] =	wrdreg $0x0  }
0xb1: {  	[dreg:$0x5] =	wrdreg $0x138800  }
0xb2: {  	[dreg:$0x6] =	wrdreg $0x9  }
0xb3: {  	_ =	task.clear_ibuf [dreg:s7], $0x7FFFF;
	_ =	strace $0x90000046  }
0xb4: {  	s29 =	simm.s32 $0x9;
	_ =	strace $0x80000048  }
0xb5: {  	_ =	swait.ge [sflag:s29], $0x1  }
0xb6: {  	[sflag:s29] =	ssyncadd.s32 $0xFFFFFFFF  }
0xb7: {  	_ =	strace $0x90000048  }
0xb8: {  	_ =	sfence  }
0xb9: {  	s30 =	sld [smem:$0x0];
	_ =	sdelay $0x2  }
0xba: {  	s31 =	sshll.u32 s1, $0xD;
	s1 =	sshrl.u32 s1, $0x2  }
0xbb: {  	s3 =	sand.u32 $0x4000, s31;
	s1 =	sadd.s32 s1, s30  }
0xbc: {  	s0 =	sor.u32 s3, s0;
	s1 =	sshll.u32 s1, $0x11  }
0xbd: {  	s0 =	sor.u32 s1, s0  }
0xbe: {  	s0 =	sadd.s32 $0x8F2B, s0  }
0xbf: {  	[sflag:s0] =	ssyncadd.remote.s32 $0x1  }
0xc0: {  	_ =	sfence.sel $0xFFFF  }
0xc1: {  	[dreg:$0x0] =	wrdreg $0xFFFFFFFF;
	(pc) =	sbr.abs _section_cstart, $3  }
0xc2: {  	[dreg:$0x1] =	wrdreg $0xFFFFFFFF  }
0xc3: {  	_ =	task.clear_ibuf [dreg:s7], $0x2FFFF;
	_ =	strace $0x9FFFFFFF  }
0xc4: {  	(tm) =	ssettm $0x7FFFFFFF  }
0xc5: {  	_ =	shalt  }
tec
execute0_lowered:
.L_overlay_start_1:
0x0: {  	(tag) =	ssettag $0x1  }
0x1: {  	s1 =	rddreg [dreg:$0x0]  }
0x2: {  	s0 =	rddreg [dreg:$0x1]  }
0x3: {  	s2 =	rddreg [dreg:$0x2]  }
0x4: {  	s4 =	rddreg [dreg:$0x3];
	s20 =	stileid.u32  }
0x5: {  	s5 =	simm.s32 $0x0;
	s6 =	srdreg.scid;
	s3 =	smul.u32 $0x2700, s20  }
0x6: {  	s28 =	simm.s32 $0x80;
	s29 =	simm.s32 $0x13C80;
	s9 =	smul.u32 $0x280, s20  }
0x7: {  	s30 =	simm.s32 $0x1;
	s31 =	simm.s32 $0x1BC80;
	s14 =	smul.u32 $0x4E000, s20  }
0x8: {  	[smem:$0x7FF] =	sst s5;
	s10 =	sand.u32 $0x1, s6;
	s16 =	smul.u32 $0x4E, s20  }
0x9: {  	s6 =	sadd.s32 $0x4F8200, s0;
	s7 =	sadd.s32 $0xC400, s0;
	s22 =	smul.u32 $0x13800, s20  }
0xa: {  	s8 =	sadd.s32 $0x2600, s0;
	s15 =	sadd.s32 $0x3E400, s0;
	s11 =	smul.u32 $0x2800, s10  }
0xb: {  	s19 =	sadd.s32 $0x124800, s2;
	p0 =	slt.u32 s20, $0x2;
	s26 =	smul.u32 $0x4E2, s10  }
0xc: {  	_ =	strace $0x80000047;
	s13 =	ssub.s32 $0x2, s10;
	s18 =	smul.u32 $0x138800, s10  }
0xd: {  	s12 =	sshrl.u32 s9, $0x3;
	s3 =	sadd.s32 s3, s0;
	s24 =	sshrl.u32 s13, $0x1  }
0xe: {  	s25 =	sshrl.u32 s14, $0x2;
	s12 =	sadd.s32 s12, s0;
	s11 =	sadd.s32 s9, s11  }
0xf: {  	s13 =	ssub.s32 s13, s24;
	s21 =	sadd.s32 s25, s2;
	s3 =	sadd.s32 $0x16200, s3  }
0x10: {  	s9 =	sadd.s32 s9, s4;
	s24 =	sadd.s32 s16, s26;
	s25 =	smin.u32 s20, $0x2  }
0x11: {  	s26 =	sshll.u32 s20, $0x6;
	s11 =	sshrl.u32 s11, $0x3;
	[dreg:$0x5] =	wrdreg s3  }
0x12: {  	[dreg:$0x7] =	wrdreg s9;
	s23 =	sadd.s32 $0x3D400, s12;
	s3 =	sadd.s32 s22, s18  }
0x13: {  	s14 =	sadd.s32 s25, s24;
	s22 =	sor.u32 $0x1C02, s26;
	s24 =	simm.s32 $0x13B00  }
0x14: {  	s25 =	simm.s32 $0x13B80;
	s26 =	simm.s32 $0x17C80;
	s17 =	sadd.s32 s11, s0  }
0x15: {  	s0 =	sadd.s32 $0x3AB00, s0;
	s11 =	simm.s32 $0x4F;
	[dreg:$0x8] =	wrdreg s23  }
0x16: {  	s3 =	sshrl.u32 s3, $0x3;
	s23 =	simm.s32 $0x2;
	[dreg:$0x6] =	wrdreg s0  }
0x17: {  	s11 =	simm.s32 @!p0 $0x4E;
	s0 =	sshrl.u32 s18, $0x3;
	s3 =	sadd.s32 s15, s3  }
0x18: {  	s17 =	sadd.s32 $0x3DA00, s17;
	s18 =	smax.u32 s13, $0x1;
	p0 =	seq.s32 s20, $0xF  }
0x19: {  	s0 =	sadd.s32 s15, s0;
	[dreg:$0x9] =	wrdreg s3;
	s19 =	sshrl.u32 @p0 s19, $0x3  }
0x1a: {  	s21 =	sshrl.u32 @!p0 s21, $0x3;
	s16 =	sadd.s32 $0x24900, s0;
	s0 =	sshll.u32 @!p0 s20, $0x6  }
0x1b: {  	v0 =	vimm.f32 $1.000000000e+00;
	s15 =	simm.s32 $0x0;
	s20 =	sor.u32 @!p0 $0x1C02, s0;
	s0 =	simm.s32 $0x13C00  }
.LBB2_1:
0x1c: {  	s3 =	simm.s32 @p0 $0x1FC2;
	s9 =	rddreg [dreg:$0x6]  }
0x1d: {  	[spmem:s19], [sflag:s3] =	dma.local @p0 [hbm:s9], $0x2800  }
0x1e: {  	s3 =	simm.s32 @p0 $0x2  }
0x1f: {  	_ =	swait.ge @p0 [sflag:s3], $0x2800  }
0x20: {  	[sflag:s3] =	ssyncset.done @p0 $0x0  }
0x21: {  	[sflag:s3] =	ssyncadd.s32 @p0 $0xFFFFD800;
	s3 =	rddreg [dreg:$0x5]  }
0x22: {  	[spmem:s21], [sflag:s20] =	dma.local @!p0 [hbm:s3], $0x2700  }
0x23: {  	s3 =	simm.s32 @!p0 $0x2  }
0x24: {  	_ =	swait.ge @!p0 [sflag:s3], $0x2700  }
0x25: {  	[sflag:s3] =	ssyncset.done @!p0 $0x0;
	s12 =	rddreg [dreg:$0x7]  }
0x26: {  	s13 =	rddreg [dreg:$0x8];
	[sflag:s3] =	ssyncadd.s32 @!p0 $0xFFFFD900;
	s3 =	sshrl.u32 s12, $0x3  }
0x27: {  	[spmem:s3], [sflag:s22] =	dma.local [hbm:s13], $0x50  }
0x28: {  	_ =	swait.ge [sflag:s23], $0x50  }
0x29: {  	[sflag:s23] =	ssyncset.done $0x0  }
0x2a: {  	[sflag:s23] =	ssyncadd.s32 $0xFFFFFFB0  }
0x2b: {  	[tilespmem:$0x13C00] =	vst v0  }
0x2c: {  	[tilespmem:$0x13C10] =	vst v0  }
0x2d: {  	[tilespmem:$0x13C20] =	vst v0  }
0x2e: {  	[tilespmem:$0x13C30] =	vst v0  }
0x2f: {  	[tilespmem:$0x13C40] =	vst v0  }
0x30: {  	[tilespmem:$0x13C50] =	vst v0  }
0x31: {  	[tilespmem:$0x13C60] =	vst v0  }
0x32: {  	[tilespmem:$0x13C70] =	vst v0  }
0x33: {  	s9 =	simm.s32 $0x0;
	[bflag:$0x0] =	sbarrier.arrive $0xFFFF  }
.LBB2_2:
0x34: {  	s10 =	sadd.s32 s9, s14  }
0x35: {  	s12 =	sshll.u32 s10, $0x4  }
0x36: {  	s12 =	sand.u32 $0x1FFFFFF0, s12  }
0x37: {  	s13 =	sadd.s32 s7, s12  }
0x38: {  	[tilespmem:s24], [sflag:$0x2] =	stream.linear.gather [hbm4b:s13+s15], $0x80, $0x38;
	[tilespmem:$0x1FC80] =	vst v63  }
0x39: {  	_ =	swait.ge [sflag:s23], $0x80  }
0x3a: {  	[sflag:s23] =	ssyncset.done $0x0  }
0x3b: {  	s12 =	sadd.s32 s8, s12;
	[sflag:s23] =	ssyncadd.s32 $0xFFFFFF80  }
0x3c: {  	[tilespmem:s25], [sflag:$0x2] =	stream.linear.gather [hbm4b:s12+s15], $0x80, $0x38;
	[tilespmem:$0x1FC80] =	vst v63  }
0x3d: {  	s10 =	sshll.u32 s10, $0xB;
	_ =	swait.ge [sflag:s23], $0x80  }
0x3e: {  	s10 =	sand.u32 $0x1FFFF800, s10;
	[sflag:s23] =	ssyncset.done $0x0  }
0x3f: {  	s10 =	sadd.s32 s6, s10;
	[sflag:s23] =	ssyncadd.s32 $0xFFFFFF80  }
0x40: {  	[tilespmem:s26], [sflag:$0x2] =	stream.linear.gather [hbm4b:s10+s15], $0x4000, $0x38;
	[tilespmem:$0x1FC80] =	vst v63  }
0x41: {  	_ =	swait.ge [sflag:s23], $0x4000  }
0x42: {  	[sflag:s23] =	ssyncset.done $0x0  }
0x43: {  	[sflag:s23] =	ssyncadd.s32 $0xFFFFC000  }
0x44: {  	[tilespmem:s29], [sflag:$0x1] =	stream.indirect.gather [hbm4b:s1+s28], $0x80, s24, s28, $0xb8;
	[tilespmem:$0x1FC80] =	vst v63  }
0x45: {  	_ =	swait.ge [sflag:s30], $0x4000  }
0x46: {  	[sflag:s30] =	ssyncset.done $0x0  }
0x47: {  	s10 =	simm.s32 $0x0;
	[sflag:s30] =	ssyncadd.s32 $0xFFFFC000  }
0x48: {  	v1 =	vld [tilespmem:s10+$0x13CF0]  }
0x49: {  	v2 =	vld [tilespmem:s10+$0x17CF0]  }
0x4a: {  	v3 =	vld [tilespmem:s10+$0x13C80]  }
0x4b: {  	v4 =	vld [tilespmem:s10+$0x17C80]  }
0x4c: {  	v5 =	vld [tilespmem:s10+$0x13C90]  }
0x4d: {  	v6 =	vld [tilespmem:s10+$0x17C90]  }
0x4e: {  	v7 =	vld [tilespmem:s10+$0x13CA0]  }
0x4f: {  	v8 =	vld [tilespmem:s10+$0x13CB0]  }
0x50: {  	v1 =	vmul.f32 v2, v1;
	v2 =	vld [tilespmem:s10+$0x17CA0]  }
0x51: {  	v9 =	vld [tilespmem:s10+$0x17CB0]  }
0x52: {  	v10 =	vld [tilespmem:s10+$0x17CC0];
	v3 =	vmul.f32 v4, v3  }
0x53: {  	[tilespmem:s10+$0x1BCF0] =	vst v1;
	v1 =	vmul.f32 v6, v5;
	v6 =	vld [tilespmem:s10+$0x13CC0]  }
0x54: {  	v4 =	vld [tilespmem:s10+$0x17CD0];
	[tilespmem:s10+$0x1BC80] =	vst v3  }
0x55: {  	v3 =	vld [tilespmem:s10+$0x13CD0];
	[tilespmem:s10+$0x1BC90] =	vst v1;
	v1 =	vmul.f32 v2, v7  }
0x56: {  	v5 =	vld [tilespmem:s10+$0x17CE0];
	v7 =	vmul.f32 v9, v8  }
0x57: {  	s12 =	simm.s32 $0x80;
	[tilespmem:s10+$0x1BCA0] =	vst v1;
	v1 =	vld [tilespmem:s10+$0x13CE0]  }
0x58: {  	s13 =	simm.s32 $0x400;
	v6 =	vmul.f32 v10, v6;
	v2 =	vld [tilespmem:s12+$0x13CF0];
	[tilespmem:s10+$0x1BCB0] =	vst v7  }
.LBB2_3:
0x59: {  	p1 =	sne.s32 s13, $0xFE00;
	v7 =	vld [tilespmem:s12+$0x17CF0]  }
0x5a: {  	v8 =	vld [tilespmem:s12+$0x13C80];
	[tilespmem:s10+$0x1BCC0] =	vst v6;
	v3 =	vmul.f32 v4, v3  }
0x5b: {  	v4 =	vld [tilespmem:s12+$0x17C80]  }
0x5c: {  	v6 =	vld [tilespmem:s12+$0x13C90];
	[tilespmem:s10+$0x1BCD0] =	vst v3;
	v1 =	vmul.f32 v5, v1  }
0x5d: {  	v3 =	vld [tilespmem:s12+$0x17C90]  }
0x5e: {  	v5 =	vld [tilespmem:s12+$0x13CA0];
	v2 =	vmul.f32 v7, v2;
	[tilespmem:s10+$0x1BCE0] =	vst v1;
	s10 =	smov.u32 s12  }
0x5f: {  	v1 =	vld [tilespmem:s10+$0x17CA0]  }
0x60: {  	v4 =	vmul.f32 v4, v8;
	v7 =	vld [tilespmem:s10+$0x13CB0];
	[tilespmem:s10+$0x1BCF0] =	vst v2  }
0x61: {  	v2 =	vld [tilespmem:s10+$0x17CB0]  }
0x62: {  	[tilespmem:s10+$0x1BC80] =	vst v4;
	v3 =	vmul.f32 v3, v6;
	v6 =	vld [tilespmem:s10+$0x13CC0]  }
0x63: {  	v8 =	vld [tilespmem:s10+$0x17CC0]  }
.Ltmp0:
0x64: {  	[tilespmem:s10+$0x1BC90] =	vst v3;
	v1 =	vmul.f32 v1, v5;
	v3 =	vld [tilespmem:s10+$0x13CD0];
	(pc) =	sbr.rel @p1 .LBB2_3-.Ltmp0, $4  }
0x65: {  	v4 =	vld [tilespmem:s10+$0x17CD0]  }
0x66: {  	[tilespmem:s10+$0x1BCA0] =	vst v1;
	v7 =	vmul.f32 v2, v7;
	v1 =	vld [tilespmem:s10+$0x13CE0]  }
0x67: {  	s12 =	sshra.s32 s13, $0x2;
	v5 =	vld [tilespmem:s10+$0x17CE0]  }
0x68: {  	s13 =	sadd.s32 $0x200, s13;
	v2 =	vld [tilespmem:s12+$0x13CF0];
	[tilespmem:s10+$0x1BCB0] =	vst v7;
	v6 =	vmul.f32 v8, v6  }
0x69: {  	v7 =	vld [tilespmem:s12+$0x17CF0]  }
0x6a: {  	v8 =	vld [tilespmem:s12+$0x13C80];
	[tilespmem:s10+$0x1BCC0] =	vst v6;
	v3 =	vmul.f32 v4, v3  }
0x6b: {  	v57 =	vld [tilespmem:s12+$0x17C80]  }
0x6c: {  	v6 =	vld [tilespmem:s12+$0x13C90];
	[tilespmem:s10+$0x1BCD0] =	vst v3;
	v1 =	vmul.f32 v5, v1  }
0x6d: {  	v3 =	vld [tilespmem:s12+$0x17C90]  }
0x6e: {  	v58 =	vld [tilespmem:s12+$0x13CA0];
	[tilespmem:s10+$0x1BCE0] =	vst v1  }
0x6f: {  	v1 =	vmul.f32 v7, v2;
	v2 =	vld [tilespmem:s12+$0x17CA0]  }
0x70: {  	v59 =	vld [tilespmem:s12+$0x13CB0]  }
0x71: {  	v60 =	vld [tilespmem:s12+$0x13CC0]  }
0x72: {  	v61 =	vld [tilespmem:s12+$0x17CC0]  }
0x73: {  	v62 =	vld [tilespmem:s12+$0x17CD0]  }
0x74: {  	[tilespmem:s12+$0x1BCF0] =	vst v1;
	v1 =	vld [tilespmem:s12+$0x17CB0];
	v3 =	vmul.f32 v3, v6  }
0x75: {  	v63 =	vld [tilespmem:s12+$0x17CE0];
	v2 =	vmul.f32 v2, v58  }
0x76: {  	[tilespmem:s12+$0x1BC90] =	vst v3;
	v3 =	vld [tilespmem:s12+$0x13CD0]  }
0x77: {  	[tilespmem:s12+$0x1BCA0] =	vst v2;
	v2 =	vld [tilespmem:s12+$0x13CE0]  }
0x78: {  	v4 =	vmul.f32 v57, v8  }
0x79: {  	v1 =	vmul.f32 v1, v59  }
0x7a: {  	[tilespmem:s12+$0x1BC80] =	vst v4;
	v4 =	vmul.f32 v61, v60  }
0x7b: {  	[tilespmem:s12+$0x1BCB0] =	vst v1;
	v1 =	vmul.f32 v62, v3  }
0x7c: {  	[tilespmem:s12+$0x1BCC0] =	vst v4;
	v2 =	vmul.f32 v63, v2  }
0x7d: {  	[tilespmem:s12+$0x1BCD0] =	vst v1  }
0x7e: {  	[tilespmem:s12+$0x1BCE0] =	vst v2  }
0x7f: {  	[spmem:s2] =	stream.indirect.scatter.add.f32 [tilespmem:s31], [sflag:$0x2], $0x80, s25, s28, $0xb8;
	[tilespmem:$0x1FC80] =	vst v63  }
0x80: {  	s9 =	sadd.s32 $0x1, s9;
	_ =	swait.ge [sflag:s23], $0x4000  }
0x81: {  	p1 =	sne.s32 s9, s11;
	[sflag:s23] =	ssyncset.done $0x0  }
.Ltmp1:
0x82: {  	[sflag:s23] =	ssyncadd.s32 $0xFFFFC000;
	(pc) =	sbr.rel @p1 .LBB2_2-.Ltmp1, $4  }
0x83: {  	[spmem:s4] =	stream.indirect.scatter.add.f32 [tilespmem:s0], [sflag:$0x2], $0x1, s25, s28, $0xb8;
	[tilespmem:$0x1FC80] =	vst v63  }
0x84: {  	_ =	swait.ge [sflag:s23], $0x80  }
0x85: {  	[sflag:s23] =	ssyncset.done $0x0  }
0x86: {  	[sflag:s23] =	ssyncadd.s32 $0xFFFFFF80  }
0x87: {  	[bflag:$0x0] =	sbarrier.arrive $0xFFFF;
	s9 =	simm.s32 @p0 $0x2  }
0x88: {  	[hbm:s16], [sflag:s22] =	dma.local @p0 [spmem:s19], $0x2800  }
0x89: {  	_ =	swait.ge @p0 [sflag:s9], $0x2800  }
0x8a: {  	[sflag:s9] =	ssyncset.done @p0 $0x0  }
0x8b: {  	[sflag:s9] =	ssyncadd.s32 @p0 $0xFFFFD800;
	s9 =	rddreg [dreg:$0x9]  }
0x8c: {  	[hbm:s9], [sflag:s22] =	dma.local @!p0 [spmem:s21], $0x2700  }
0x8d: {  	s9 =	simm.s32 @!p0 $0x2  }
0x8e: {  	s5 =	sadd.s32 $0x1, s5;
	_ =	swait.ge @!p0 [sflag:s9], $0x2700  }
0x8f: {  	p1 =	sne.s32 s5, s18;
	[sflag:s9] =	ssyncset.done @!p0 $0x0  }
.Ltmp2:
0x90: {  	[sflag:s9] =	ssyncadd.s32 @!p0 $0xFFFFD900;
	(pc) =	sbr.rel @p1 .LBB2_1-.Ltmp2, $4  }
0x91: {  	[hbm:s17], [sflag:s22] =	dma.local [spmem:s3], $0x50  }
0x92: {  	_ =	swait.ge [sflag:s23], $0x50  }
0x93: {  	[sflag:s23] =	ssyncset.done $0x0  }
0x94: {  	[sflag:s23] =	ssyncadd.s32 $0xFFFFFFB0  }
0x95: {  	_ =	sfence.sel $0x180000  }
0x96: {  	[bflag:$0x0] =	sbarrier.arrive $0xFFFF  }
0x97: {  	_ =	strace $0x90000047  }
0x98: {  	s0 =	stileid.u32;
	[bflag:$0x2] =	sbarrier.arrive $0xFFFF  }
0x99: {  	p0 =	sne.s32 s0, $0x0;
	s0 =	rddreg [dreg:$0x4]  }
0x9a: {  	s0 =	sadd.s32 @!p0 $0x100000, s0  }
0x9b: {  	[sflag:s0] =	ssyncadd.tile.s32 @!p0 $0x1;
	_ =	shalt  }
.Lfunc_end2:
_tile_overlayer_lowered:
.L_overlay_start_2:
0x9c: {  	(tag) =	ssettag $0x2  }
0x9d: {  	s0 =	rddreg [dreg:$0x0];
	s2 =	stileid.u32  }
0x9e: {  	s1 =	rddreg [dreg:$0x1];
	p0 =	sne.s32 s2, $0x0  }
0x9f: {  	s3 =	rddreg [dreg:$0x2];
	[bflag:$0x3] =	sbarrier.arrive $0xFFFF;
	s2 =	simm.s32 @!p0 $0x1C02  }
0xa0: {  	[timem:s3], [sflag:s2] =	dma.local @!p0 [hbm:s0], s1  }
0xa1: {  	s0 =	simm.s32 @!p0 $0x2  }
0xa2: {  	_ =	swait.ge @!p0 [sflag:s0], s1  }
0xa3: {  	s1 =	ssub.s32 @!p0 $0x0, s1;
	[sflag:s0] =	ssyncset.done @!p0 $0x0  }
0xa4: {  	[sflag:s0] =	ssyncadd.s32 @!p0 s1  }
0xa5: {  	[bflag:$0x3] =	sbarrier.arrive $0xFFFF  }
0xa6: {  	_ =	shalt  }

</sc_bundles>
